<compile_context>
chip_gen: v7x
topology: tpu7x:2x2x1
jax: 0.10.2.dev20260603
libtpu: 0.0.44.dev20260713+nightly
codegen_flags: <defaults>
</compile_context>

<pallas_src>
import functools

import jax
import jax.numpy as jnp
from jax import lax
from jax.experimental import pallas as pl
from jax.experimental.pallas import tpu as pltpu
from jax.experimental.pallas import tpu_sc as plsc

LANES = 16


def _sc_workers():
    try:
        info = plsc.get_sparse_core_info()
        return info.num_cores, info.num_subcores
    except Exception:
        return 2, 16


def _body(nc, tok_hbm, par_hbm, out_hbm, tok_v, out_v, par_v, tab0, tab1,
          out_sem, *in_sems):
    wid = lax.axis_index("s") * nc + lax.axis_index("c")
    col = tok_hbm.at[:, pl.ds(wid * 8, 8), :]
    trs = (0, 7, 13, 19, 25)
    cps = [
        pltpu.async_copy(
            col.at[pl.ds(trs[k], trs[k + 1] - trs[k])],
            tok_v.at[pl.ds(trs[k], trs[k + 1] - trs[k])],
            in_sems[k],
        )
        for k in range(4)
    ]

    pltpu.sync_copy(par_hbm, par_v)
    t = par_v[0, :]
    c0 = par_v[1, :]
    q0 = par_v[2, :]
    tab0[...] = c0 + q0 * t * t
    tab1[...] = c0 * q0 * t

    def it(v):
        idx = tok_v[v // 64, (v // 8) % 8, pl.ds((v % 8) * LANES, LANES)]
        g0 = plsc.load_gather(tab0, [idx])
        g1 = plsc.load_gather(tab1, [idx])
        l = v // 8
        j = (v % 8) * LANES
        out_v[l, 0, pl.ds(j, LANES)] = g0
        out_v[l, 1, pl.ds(j, LANES)] = g1

    out_slab = out_hbm.at[:, pl.ds(wid * 2, 2), :]
    outs = []
    for k in range(4):
        cps[k].wait()
        plsc.parallel_loop(trs[k] * 64, trs[k + 1] * 64, unroll=8)(it)
        r0, nr = trs[k] * 8, (trs[k + 1] - trs[k]) * 8
        outs.append((
            pltpu.async_copy(
                out_v.at[pl.ds(r0, nr)], out_slab.at[pl.ds(r0, nr)], out_sem
            )
            if k < 3
            else pltpu.sync_copy(
                out_v.at[pl.ds(r0, nr)], out_slab.at[pl.ds(r0, nr)]
            )
        ))
    for k in range(3):
        outs[k].wait()


def kernel(tokens, token_values, const0, quad0):
    B, L = tokens.shape
    V = token_values.shape[0]
    assert (B, L) == (4096, 200) and V <= LANES
    nc, ns = _sc_workers()
    assert nc * ns == 32

    tok_phys = (
        jnp.asarray(tokens, jnp.int32)
        .T.reshape(25, 8, 32, 128)
        .transpose(0, 2, 1, 3)
        .reshape(25, 256, 128)
    )
    params = jnp.zeros((3, LANES), jnp.float32)
    params = params.at[0, :V].set(token_values)
    params = params.at[1, :].set(const0[0])
    params = params.at[2, :].set(quad0[0])

    mesh = plsc.VectorSubcoreMesh(core_axis_name="c", subcore_axis_name="s")
    out = pl.kernel(
        functools.partial(_body, nc),
        out_type=jax.ShapeDtypeStruct((200, 64, 128), jnp.float32),
        mesh=mesh,
        compiler_params=pltpu.CompilerParams(needs_layout_passes=False),
        scratch_types=[
            pltpu.VMEM((25, 8, 128), jnp.int32),
            pltpu.VMEM((200, 2, 128), jnp.float32),
            pltpu.VMEM((3, LANES), jnp.float32),
            pltpu.VMEM((LANES,), jnp.float32),
            pltpu.VMEM((LANES,), jnp.float32),
            pltpu.SemaphoreType.DMA,
            pltpu.SemaphoreType.DMA,
            pltpu.SemaphoreType.DMA,
            pltpu.SemaphoreType.DMA,
            pltpu.SemaphoreType.DMA,
        ],
    )(tok_phys, params)
    return (
        out.reshape(200, 32, 2, 128).transpose(1, 3, 0, 2).reshape(B, L, 2)
    )

# --- scband reference (transcript-rebuilt; emitter-appended) ---
"""Pipeline reference for scband-quad-embedding-51591147159753 (READ-ONLY COPY).

The authoritative reference and input builder live on the scoring server;
editing this copy changes nothing except your own understanding.
"""

import jax, jax.numpy as jnp
import numpy as np

VOCAB_SIZE = 10
EMBED_CONST = 1000.0
DECODE_QUAD = 0.001


def setup_inputs(seed: int = 0) -> dict:
    key = jax.random.key(seed)
    tokens = jax.random.randint(key, (4096, 200), 0, VOCAB_SIZE, dtype=jnp.int64 if jax.config.read('jax_enable_x64') else jnp.int32)
    token_values = jnp.arange(VOCAB_SIZE, dtype=jnp.float32)
    const0 = jnp.array([EMBED_CONST], dtype=jnp.float32)
    quad0 = jnp.array([-DECODE_QUAD], dtype=jnp.float32)
    return {"tokens": tokens, "token_values": token_values, "const0": const0, "quad0": quad0}


def reference(tokens, token_values, const0, quad0):
    t = token_values
    col0 = const0 + quad0 * (t * t)
    col1 = const0 * quad0 * t
    weight = jnp.stack([col0, col1], axis=-1)  # [VOCAB_SIZE, 2]
    return jnp.take(weight, tokens, axis=0)  # [B, L, 2]

if __name__ == "__main__":
    import jax
    _d = setup_inputs()
    print(jax.jit(kernel)(*tuple(_d.values())))

</pallas_src>

<mosaic_0001>
#map = affine_map<(d0, d1) -> (0, 0, 0)>
#map1 = affine_map<(d0, d1) -> (0, 0)>
module attributes {stable_mosaic.version = 14 : i64} {
  func.func @_body(%arg0: i32, %arg1: i32, %arg2: memref<25x256x128xi32, #tpu.memory_space<hbm>>, %arg3: memref<3x16xf32, #tpu.memory_space<hbm>>, %arg4: memref<200x64x128xf32, #tpu.memory_space<hbm>>, %arg5: memref<25x8x128xi32, #tpu.memory_space<vmem>>, %arg6: memref<200x2x128xf32, #tpu.memory_space<vmem>>, %arg7: memref<3x16xf32, #tpu.memory_space<vmem>>, %arg8: memref<16xf32, #tpu.memory_space<vmem>>, %arg9: memref<16xf32, #tpu.memory_space<vmem>>, %arg10: memref<!tpu.dma_semaphore, #tpu.memory_space<semaphore_mem>>, %arg11: memref<!tpu.dma_semaphore, #tpu.memory_space<semaphore_mem>>, %arg12: memref<!tpu.dma_semaphore, #tpu.memory_space<semaphore_mem>>, %arg13: memref<!tpu.dma_semaphore, #tpu.memory_space<semaphore_mem>>, %arg14: memref<!tpu.dma_semaphore, #tpu.memory_space<semaphore_mem>>) attributes {dimension_semantics = [#tpu.dimension_semantics<core_parallel>, #tpu.dimension_semantics<subcore_parallel>], iteration_bounds = array<i64: 2, 16>, scalar_prefetch = 0 : i64, scratch_operands = 10 : i64, tpu.core_type = #tpu.core_type<sc_vector_subcore>, window_params = [{transform_indices = #map}, {transform_indices = #map1}, {transform_indices = #map}]} {
    %mul3A = arith.constant 2 : i32
    %mul3A_0 = arith.muli %arg1, %mul3A : i32
    %add3A = arith.addi %mul3A_0, %arg0 : i32
    %mul3A_1 = arith.constant 8 : i32
    %mul3A_2 = arith.muli %add3A, %mul3A_1 : i32
    %dma_start3A = arith.constant 0 : i32
    %dma_start3A_3 = arith.constant 0 : i32
    %dma_start3A_4 = arith.constant 0 : i32
    %dma_start3A_5 = tpu.memref_slice %arg5[%dma_start3A, %dma_start3A_3, %dma_start3A_4] : memref<25x8x128xi32, #tpu.memory_space<vmem>> -> memref<7x8x128xi32, #tpu.memory_space<vmem>>
    %dma_start3A_6 = arith.constant 0 : i32
    %dma_start3A_7 = arith.constant 0 : i32
    %dma_start3A_8 = tpu.memref_slice %arg2[%dma_start3A_6, %mul3A_2, %dma_start3A_7] : memref<25x256x128xi32, #tpu.memory_space<hbm>> -> memref<25x8x128xi32, #tpu.memory_space<hbm>>
    %dma_start3A_9 = arith.constant 0 : i32
    %dma_start3A_10 = arith.constant 0 : i32
    %dma_start3A_11 = arith.constant 0 : i32
    %dma_start3A_12 = tpu.memref_slice %dma_start3A_8[%dma_start3A_9, %dma_start3A_10, %dma_start3A_11] : memref<25x8x128xi32, #tpu.memory_space<hbm>> -> memref<7x8x128xi32, #tpu.memory_space<hbm>>
    %dma_start3A_13 = arith.constant 0 : i32
    %dma_start3A_14 = arith.constant 0 : i32
    %dma_start3A_15 = arith.constant 0 : i32
    %dma_start3A_16 = tpu.memref_slice %arg5[%dma_start3A_13, %dma_start3A_14, %dma_start3A_15] : memref<25x8x128xi32, #tpu.memory_space<vmem>> -> memref<7x8x128xi32, #tpu.memory_space<vmem>>
    %dma_start3A_17 = arith.constant 0 : i32
    %dma_start3A_18 = arith.constant 0 : i32
    %dma_start3A_19 = tpu.memref_slice %arg2[%dma_start3A_17, %mul3A_2, %dma_start3A_18] : memref<25x256x128xi32, #tpu.memory_space<hbm>> -> memref<25x8x128xi32, #tpu.memory_space<hbm>>
    %dma_start3A_20 = arith.constant 0 : i32
    %dma_start3A_21 = arith.constant 0 : i32
    %dma_start3A_22 = arith.constant 0 : i32
    %dma_start3A_23 = tpu.memref_slice %dma_start3A_19[%dma_start3A_20, %dma_start3A_21, %dma_start3A_22] : memref<25x8x128xi32, #tpu.memory_space<hbm>> -> memref<7x8x128xi32, #tpu.memory_space<hbm>>
    tpu.enqueue_dma source(%dma_start3A_23 : memref<7x8x128xi32, #tpu.memory_space<hbm>>) target(%dma_start3A_16 : memref<7x8x128xi32, #tpu.memory_space<vmem>>) target_semaphore(%arg11 : memref<!tpu.dma_semaphore, #tpu.memory_space<semaphore_mem>>)
    %dma_start3A_24 = arith.constant 7 : i32
    %dma_start3A_25 = arith.constant 0 : i32
    %dma_start3A_26 = arith.constant 0 : i32
    %dma_start3A_27 = tpu.memref_slice %arg5[%dma_start3A_24, %dma_start3A_25, %dma_start3A_26] : memref<25x8x128xi32, #tpu.memory_space<vmem>> -> memref<6x8x128xi32, #tpu.memory_space<vmem>>
    %dma_start3A_28 = arith.constant 0 : i32
    %dma_start3A_29 = arith.constant 0 : i32
    %dma_start3A_30 = tpu.memref_slice %arg2[%dma_start3A_28, %mul3A_2, %dma_start3A_29] : memref<25x256x128xi32, #tpu.memory_space<hbm>> -> memref<25x8x128xi32, #tpu.memory_space<hbm>>
    %dma_start3A_31 = arith.constant 7 : i32
    %dma_start3A_32 = arith.constant 0 : i32
    %dma_start3A_33 = arith.constant 0 : i32
    %dma_start3A_34 = tpu.memref_slice %dma_start3A_30[%dma_start3A_31, %dma_start3A_32, %dma_start3A_33] : memref<25x8x128xi32, #tpu.memory_space<hbm>> -> memref<6x8x128xi32, #tpu.memory_space<hbm>>
    %dma_start3A_35 = arith.constant 7 : i32
    %dma_start3A_36 = arith.constant 0 : i32
    %dma_start3A_37 = arith.constant 0 : i32
    %dma_start3A_38 = tpu.memref_slice %arg5[%dma_start3A_35, %dma_start3A_36, %dma_start3A_37] : memref<25x8x128xi32, #tpu.memory_space<vmem>> -> memref<6x8x128xi32, #tpu.memory_space<vmem>>
    %dma_start3A_39 = arith.constant 0 : i32
    %dma_start3A_40 = arith.constant 0 : i32
    %dma_start3A_41 = tpu.memref_slice %arg2[%dma_start3A_39, %mul3A_2, %dma_start3A_40] : memref<25x256x128xi32, #tpu.memory_space<hbm>> -> memref<25x8x128xi32, #tpu.memory_space<hbm>>
    %dma_start3A_42 = arith.constant 7 : i32
    %dma_start3A_43 = arith.constant 0 : i32
    %dma_start3A_44 = arith.constant 0 : i32
    %dma_start3A_45 = tpu.memref_slice %dma_start3A_41[%dma_start3A_42, %dma_start3A_43, %dma_start3A_44] : memref<25x8x128xi32, #tpu.memory_space<hbm>> -> memref<6x8x128xi32, #tpu.memory_space<hbm>>
    tpu.enqueue_dma source(%dma_start3A_45 : memref<6x8x128xi32, #tpu.memory_space<hbm>>) target(%dma_start3A_38 : memref<6x8x128xi32, #tpu.memory_space<vmem>>) target_semaphore(%arg12 : memref<!tpu.dma_semaphore, #tpu.memory_space<semaphore_mem>>)
    %dma_start3A_46 = arith.constant 13 : i32
    %dma_start3A_47 = arith.constant 0 : i32
    %dma_start3A_48 = arith.constant 0 : i32
    %dma_start3A_49 = tpu.memref_slice %arg5[%dma_start3A_46, %dma_start3A_47, %dma_start3A_48] : memref<25x8x128xi32, #tpu.memory_space<vmem>> -> memref<6x8x128xi32, #tpu.memory_space<vmem>>
    %dma_start3A_50 = arith.constant 0 : i32
    %dma_start3A_51 = arith.constant 0 : i32
    %dma_start3A_52 = tpu.memref_slice %arg2[%dma_start3A_50, %mul3A_2, %dma_start3A_51] : memref<25x256x128xi32, #tpu.memory_space<hbm>> -> memref<25x8x128xi32, #tpu.memory_space<hbm>>
    %dma_start3A_53 = arith.constant 13 : i32
    %dma_start3A_54 = arith.constant 0 : i32
    %dma_start3A_55 = arith.constant 0 : i32
    %dma_start3A_56 = tpu.memref_slice %dma_start3A_52[%dma_start3A_53, %dma_start3A_54, %dma_start3A_55] : memref<25x8x128xi32, #tpu.memory_space<hbm>> -> memref<6x8x128xi32, #tpu.memory_space<hbm>>
    %dma_start3A_57 = arith.constant 13 : i32
    %dma_start3A_58 = arith.constant 0 : i32
    %dma_start3A_59 = arith.constant 0 : i32
    %dma_start3A_60 = tpu.memref_slice %arg5[%dma_start3A_57, %dma_start3A_58, %dma_start3A_59] : memref<25x8x128xi32, #tpu.memory_space<vmem>> -> memref<6x8x128xi32, #tpu.memory_space<vmem>>
    %dma_start3A_61 = arith.constant 0 : i32
    %dma_start3A_62 = arith.constant 0 : i32
    %dma_start3A_63 = tpu.memref_slice %arg2[%dma_start3A_61, %mul3A_2, %dma_start3A_62] : memref<25x256x128xi32, #tpu.memory_space<hbm>> -> memref<25x8x128xi32, #tpu.memory_space<hbm>>
    %dma_start3A_64 = arith.constant 13 : i32
    %dma_start3A_65 = arith.constant 0 : i32
    %dma_start3A_66 = arith.constant 0 : i32
    %dma_start3A_67 = tpu.memref_slice %dma_start3A_63[%dma_start3A_64, %dma_start3A_65, %dma_start3A_66] : memref<25x8x128xi32, #tpu.memory_space<hbm>> -> memref<6x8x128xi32, #tpu.memory_space<hbm>>
    tpu.enqueue_dma source(%dma_start3A_67 : memref<6x8x128xi32, #tpu.memory_space<hbm>>) target(%dma_start3A_60 : memref<6x8x128xi32, #tpu.memory_space<vmem>>) target_semaphore(%arg13 : memref<!tpu.dma_semaphore, #tpu.memory_space<semaphore_mem>>)
    %dma_start3A_68 = arith.constant 19 : i32
    %dma_start3A_69 = arith.constant 0 : i32
    %dma_start3A_70 = arith.constant 0 : i32
    %dma_start3A_71 = tpu.memref_slice %arg5[%dma_start3A_68, %dma_start3A_69, %dma_start3A_70] : memref<25x8x128xi32, #tpu.memory_space<vmem>> -> memref<6x8x128xi32, #tpu.memory_space<vmem>>
    %dma_start3A_72 = arith.constant 0 : i32
    %dma_start3A_73 = arith.constant 0 : i32
    %dma_start3A_74 = tpu.memref_slice %arg2[%dma_start3A_72, %mul3A_2, %dma_start3A_73] : memref<25x256x128xi32, #tpu.memory_space<hbm>> -> memref<25x8x128xi32, #tpu.memory_space<hbm>>
    %dma_start3A_75 = arith.constant 19 : i32
    %dma_start3A_76 = arith.constant 0 : i32
    %dma_start3A_77 = arith.constant 0 : i32
    %dma_start3A_78 = tpu.memref_slice %dma_start3A_74[%dma_start3A_75, %dma_start3A_76, %dma_start3A_77] : memref<25x8x128xi32, #tpu.memory_space<hbm>> -> memref<6x8x128xi32, #tpu.memory_space<hbm>>
    %dma_start3A_79 = arith.constant 19 : i32
    %dma_start3A_80 = arith.constant 0 : i32
    %dma_start3A_81 = arith.constant 0 : i32
    %dma_start3A_82 = tpu.memref_slice %arg5[%dma_start3A_79, %dma_start3A_80, %dma_start3A_81] : memref<25x8x128xi32, #tpu.memory_space<vmem>> -> memref<6x8x128xi32, #tpu.memory_space<vmem>>
    %dma_start3A_83 = arith.constant 0 : i32
    %dma_start3A_84 = arith.constant 0 : i32
    %dma_start3A_85 = tpu.memref_slice %arg2[%dma_start3A_83, %mul3A_2, %dma_start3A_84] : memref<25x256x128xi32, #tpu.memory_space<hbm>> -> memref<25x8x128xi32, #tpu.memory_space<hbm>>
    %dma_start3A_86 = arith.constant 19 : i32
    %dma_start3A_87 = arith.constant 0 : i32
    %dma_start3A_88 = arith.constant 0 : i32
    %dma_start3A_89 = tpu.memref_slice %dma_start3A_85[%dma_start3A_86, %dma_start3A_87, %dma_start3A_88] : memref<25x8x128xi32, #tpu.memory_space<hbm>> -> memref<6x8x128xi32, #tpu.memory_space<hbm>>
    tpu.enqueue_dma source(%dma_start3A_89 : memref<6x8x128xi32, #tpu.memory_space<hbm>>) target(%dma_start3A_82 : memref<6x8x128xi32, #tpu.memory_space<vmem>>) target_semaphore(%arg14 : memref<!tpu.dma_semaphore, #tpu.memory_space<semaphore_mem>>)
    "tpu.region"() ({
      %run_scoped3A = tpu.sem_alloc : memref<!tpu.dma_semaphore, #tpu.memory_space<semaphore_mem>>
      tpu.enqueue_dma source(%arg3 : memref<3x16xf32, #tpu.memory_space<hbm>>) target(%arg7 : memref<3x16xf32, #tpu.memory_space<vmem>>) target_semaphore(%run_scoped3A : memref<!tpu.dma_semaphore, #tpu.memory_space<semaphore_mem>>)
      tpu.wait_dma2 semaphore(%run_scoped3A : memref<!tpu.dma_semaphore, #tpu.memory_space<semaphore_mem>>) src(%arg3 : memref<3x16xf32, #tpu.memory_space<hbm>>) dst(%arg7 : memref<3x16xf32, #tpu.memory_space<vmem>>)
      tpu.yield
    }) : () -> ()
    %get3A = arith.constant 0 : i32
    %get3A_90 = arith.index_cast %get3A : i32 to index
    %get3A_91 = arith.constant 0 : index
    %get3A_92 = tpu.vector_load %arg7[%get3A_90, %get3A_91] {strides = array<i32>} : memref<3x16xf32, #tpu.memory_space<vmem>>, vector<16xf32>,
    %get3A_93 = arith.constant 1 : i32
    %get3A_94 = arith.index_cast %get3A_93 : i32 to index
    %get3A_95 = arith.constant 0 : index
    %get3A_96 = tpu.vector_load %arg7[%get3A_94, %get3A_95] {strides = array<i32>} : memref<3x16xf32, #tpu.memory_space<vmem>>, vector<16xf32>,
    %get3A_97 = arith.constant 2 : i32
    %get3A_98 = arith.index_cast %get3A_97 : i32 to index
    %get3A_99 = arith.constant 0 : index
    %get3A_100 = tpu.vector_load %arg7[%get3A_98, %get3A_99] {strides = array<i32>} : memref<3x16xf32, #tpu.memory_space<vmem>>, vector<16xf32>,
    %mul3A_101 = arith.mulf %get3A_100, %get3A_92 : vector<16xf32>
    %mul3A_102 = arith.mulf %mul3A_101, %get3A_92 : vector<16xf32>
    %add3A_103 = arith.addf %get3A_96, %mul3A_102 : vector<16xf32>
    %swap3A = arith.constant 0 : index
    %swap3A_104 = tpu.vector_load %arg8[%swap3A] {strides = array<i32>} : memref<16xf32, #tpu.memory_space<vmem>>, vector<16xf32>,
    tpu.vector_store %arg8[%swap3A], %add3A_103 {strides = array<i32>} : memref<16xf32, #tpu.memory_space<vmem>>, vector<16xf32>,
    %mul3A_105 = arith.mulf %get3A_96, %get3A_100 : vector<16xf32>
    %mul3A_106 = arith.mulf %mul3A_105, %get3A_92 : vector<16xf32>
    %swap3A_107 = arith.constant 0 : index
    %swap3A_108 = tpu.vector_load %arg9[%swap3A_107] {strides = array<i32>} : memref<16xf32, #tpu.memory_space<vmem>>, vector<16xf32>,
    tpu.vector_store %arg9[%swap3A_107], %mul3A_106 {strides = array<i32>} : memref<16xf32, #tpu.memory_space<vmem>>, vector<16xf32>,
    %mul3A_109 = arith.constant 2 : i32
    %mul3A_110 = arith.muli %add3A, %mul3A_109 : i32
    %dma_wait3A = arith.constant 0 : i32
    %dma_wait3A_111 = arith.constant 0 : i32
    %dma_wait3A_112 = arith.constant 0 : i32
    %dma_wait3A_113 = tpu.memref_slice %arg5[%dma_wait3A, %dma_wait3A_111, %dma_wait3A_112] : memref<25x8x128xi32, #tpu.memory_space<vmem>> -> memref<7x8x128xi32, #tpu.memory_space<vmem>>
    %dma_wait3A_114 = arith.constant 0 : i32
    %dma_wait3A_115 = arith.constant 0 : i32
    %dma_wait3A_116 = tpu.memref_slice %arg2[%dma_wait3A_114, %mul3A_2, %dma_wait3A_115] : memref<25x256x128xi32, #tpu.memory_space<hbm>> -> memref<25x8x128xi32, #tpu.memory_space<hbm>>
    %dma_wait3A_117 = arith.constant 0 : i32
    %dma_wait3A_118 = arith.constant 0 : i32
    %dma_wait3A_119 = arith.constant 0 : i32
    %dma_wait3A_120 = tpu.memref_slice %dma_wait3A_116[%dma_wait3A_117, %dma_wait3A_118, %dma_wait3A_119] : memref<25x8x128xi32, #tpu.memory_space<hbm>> -> memref<7x8x128xi32, #tpu.memory_space<hbm>>
    %dma_wait3A_121 = arith.constant 0 : i32
    %dma_wait3A_122 = arith.constant 0 : i32
    %dma_wait3A_123 = arith.constant 0 : i32
    %dma_wait3A_124 = tpu.memref_slice %arg5[%dma_wait3A_121, %dma_wait3A_122, %dma_wait3A_123] : memref<25x8x128xi32, #tpu.memory_space<vmem>> -> memref<7x8x128xi32, #tpu.memory_space<vmem>>
    %dma_wait3A_125 = arith.constant 0 : i32
    %dma_wait3A_126 = arith.constant 0 : i32
    %dma_wait3A_127 = tpu.memref_slice %arg2[%dma_wait3A_125, %mul3A_2, %dma_wait3A_126] : memref<25x256x128xi32, #tpu.memory_space<hbm>> -> memref<25x8x128xi32, #tpu.memory_space<hbm>>
    %dma_wait3A_128 = arith.constant 0 : i32
    %dma_wait3A_129 = arith.constant 0 : i32
    %dma_wait3A_130 = arith.constant 0 : i32
    %dma_wait3A_131 = tpu.memref_slice %dma_wait3A_127[%dma_wait3A_128, %dma_wait3A_129, %dma_wait3A_130] : memref<25x8x128xi32, #tpu.memory_space<hbm>> -> memref<7x8x128xi32, #tpu.memory_space<hbm>>
    tpu.wait_dma2 semaphore(%arg11 : memref<!tpu.dma_semaphore, #tpu.memory_space<semaphore_mem>>) src(%dma_wait3A_131 : memref<7x8x128xi32, #tpu.memory_space<hbm>>) dst(%dma_wait3A_124 : memref<7x8x128xi32, #tpu.memory_space<vmem>>)
    %parallel_loop3A = arith.constant 0 : i32
    %parallel_loop3A_132 = arith.constant 448 : i32
    %parallel_loop3A_133 = arith.constant 1 : i32
    scf.for %parallel_loop3A_341 = %parallel_loop3A to %parallel_loop3A_132 step %parallel_loop3A_133  : i32 {
      %parallel_loop3A_342 = arith.constant 64 : i32
      %parallel_loop3A_343 = arith.divsi %parallel_loop3A_341, %parallel_loop3A_342 : i32
      %parallel_loop3A_344 = arith.constant 0 : i32
      %parallel_loop3A_345 = arith.cmpi sgt, %parallel_loop3A_341, %parallel_loop3A_344 : i32
      %parallel_loop3A_346 = arith.extui %parallel_loop3A_345 : i1 to i32
      %parallel_loop3A_347 = arith.constant 0 : i32
      %parallel_loop3A_348 = arith.cmpi slt, %parallel_loop3A_341, %parallel_loop3A_347 : i32
      %parallel_loop3A_349 = arith.extui %parallel_loop3A_348 : i1 to i32
      %parallel_loop3A_350 = arith.subi %parallel_loop3A_346, %parallel_loop3A_349 : i32
      %parallel_loop3A_351 = arith.constant 0 : i32
      %parallel_loop3A_352 = arith.cmpi sgt, %parallel_loop3A_342, %parallel_loop3A_351 : i32
      %parallel_loop3A_353 = arith.extui %parallel_loop3A_352 : i1 to i32
      %parallel_loop3A_354 = arith.constant 0 : i32
      %parallel_loop3A_355 = arith.cmpi slt, %parallel_loop3A_342, %parallel_loop3A_354 : i32
      %parallel_loop3A_356 = arith.extui %parallel_loop3A_355 : i1 to i32
      %parallel_loop3A_357 = arith.subi %parallel_loop3A_353, %parallel_loop3A_356 : i32
      %parallel_loop3A_358 = arith.cmpi ne, %parallel_loop3A_350, %parallel_loop3A_357 : i32
      %parallel_loop3A_359 = arith.remsi %parallel_loop3A_341, %parallel_loop3A_342 : i32
      %parallel_loop3A_360 = arith.constant 0 : i32
      %parallel_loop3A_361 = arith.cmpi ne, %parallel_loop3A_359, %parallel_loop3A_360 : i32
      %parallel_loop3A_362 = arith.andi %parallel_loop3A_358, %parallel_loop3A_361 : i1
      %parallel_loop3A_363 = arith.constant 1 : i32
      %parallel_loop3A_364 = arith.subi %parallel_loop3A_343, %parallel_loop3A_363 : i32
      %parallel_loop3A_365 = arith.select %parallel_loop3A_362, %parallel_loop3A_364, %parallel_loop3A_343 : i32
      %parallel_loop3A_366 = arith.constant 8 : i32
      %parallel_loop3A_367 = arith.divsi %parallel_loop3A_341, %parallel_loop3A_366 : i32
      %parallel_loop3A_368 = arith.constant 0 : i32
      %parallel_loop3A_369 = arith.cmpi sgt, %parallel_loop3A_341, %parallel_loop3A_368 : i32
      %parallel_loop3A_370 = arith.extui %parallel_loop3A_369 : i1 to i32
      %parallel_loop3A_371 = arith.constant 0 : i32
      %parallel_loop3A_372 = arith.cmpi slt, %parallel_loop3A_341, %parallel_loop3A_371 : i32
      %parallel_loop3A_373 = arith.extui %parallel_loop3A_372 : i1 to i32
      %parallel_loop3A_374 = arith.subi %parallel_loop3A_370, %parallel_loop3A_373 : i32
      %parallel_loop3A_375 = arith.constant 0 : i32
      %parallel_loop3A_376 = arith.cmpi sgt, %parallel_loop3A_366, %parallel_loop3A_375 : i32
      %parallel_loop3A_377 = arith.extui %parallel_loop3A_376 : i1 to i32
      %parallel_loop3A_378 = arith.constant 0 : i32
      %parallel_loop3A_379 = arith.cmpi slt, %parallel_loop3A_366, %parallel_loop3A_378 : i32
      %parallel_loop3A_380 = arith.extui %parallel_loop3A_379 : i1 to i32
      %parallel_loop3A_381 = arith.subi %parallel_loop3A_377, %parallel_loop3A_380 : i32
      %parallel_loop3A_382 = arith.cmpi ne, %parallel_loop3A_374, %parallel_loop3A_381 : i32
      %parallel_loop3A_383 = arith.remsi %parallel_loop3A_341, %parallel_loop3A_366 : i32
      %parallel_loop3A_384 = arith.constant 0 : i32
      %parallel_loop3A_385 = arith.cmpi ne, %parallel_loop3A_383, %parallel_loop3A_384 : i32
      %parallel_loop3A_386 = arith.andi %parallel_loop3A_382, %parallel_loop3A_385 : i1
      %parallel_loop3A_387 = arith.constant 1 : i32
      %parallel_loop3A_388 = arith.subi %parallel_loop3A_367, %parallel_loop3A_387 : i32
      %parallel_loop3A_389 = arith.select %parallel_loop3A_386, %parallel_loop3A_388, %parallel_loop3A_367 : i32
      %parallel_loop3A_390 = arith.constant 8 : i32
      %parallel_loop3A_391 = arith.constant 0 : i32
      %parallel_loop3A_392 = arith.cmpi eq, %parallel_loop3A_390, %parallel_loop3A_391 : i32
      %parallel_loop3A_393 = arith.constant 1 : i32
      %parallel_loop3A_394 = arith.select %parallel_loop3A_392, %parallel_loop3A_393, %parallel_loop3A_390 : i32
      %parallel_loop3A_395 = arith.remsi %parallel_loop3A_389, %parallel_loop3A_394 : i32
      %parallel_loop3A_396 = arith.constant 0 : i32
      %parallel_loop3A_397 = arith.cmpi ne, %parallel_loop3A_395, %parallel_loop3A_396 : i32
      %parallel_loop3A_398 = arith.constant 0 : i32
      %parallel_loop3A_399 = arith.cmpi slt, %parallel_loop3A_395, %parallel_loop3A_398 : i32
      %parallel_loop3A_400 = arith.constant 0 : i32
      %parallel_loop3A_401 = arith.cmpi slt, %parallel_loop3A_394, %parallel_loop3A_400 : i32
      %parallel_loop3A_402 = arith.xori %parallel_loop3A_399, %parallel_loop3A_401 : i1
      %parallel_loop3A_403 = arith.andi %parallel_loop3A_402, %parallel_loop3A_397 : i1
      %parallel_loop3A_404 = arith.addi %parallel_loop3A_395, %parallel_loop3A_394 : i32
      %parallel_loop3A_405 = arith.select %parallel_loop3A_403, %parallel_loop3A_404, %parallel_loop3A_395 : i32
      %parallel_loop3A_406 = arith.constant 8 : i32
      %parallel_loop3A_407 = arith.constant 0 : i32
      %parallel_loop3A_408 = arith.cmpi eq, %parallel_loop3A_406, %parallel_loop3A_407 : i32
      %parallel_loop3A_409 = arith.constant 1 : i32
      %parallel_loop3A_410 = arith.select %parallel_loop3A_408, %parallel_loop3A_409, %parallel_loop3A_406 : i32
      %parallel_loop3A_411 = arith.remsi %parallel_loop3A_341, %parallel_loop3A_410 : i32
      %parallel_loop3A_412 = arith.constant 0 : i32
      %parallel_loop3A_413 = arith.cmpi ne, %parallel_loop3A_411, %parallel_loop3A_412 : i32
      %parallel_loop3A_414 = arith.constant 0 : i32
      %parallel_loop3A_415 = arith.cmpi slt, %parallel_loop3A_411, %parallel_loop3A_414 : i32
      %parallel_loop3A_416 = arith.constant 0 : i32
      %parallel_loop3A_417 = arith.cmpi slt, %parallel_loop3A_410, %parallel_loop3A_416 : i32
      %parallel_loop3A_418 = arith.xori %parallel_loop3A_415, %parallel_loop3A_417 : i1
      %parallel_loop3A_419 = arith.andi %parallel_loop3A_418, %parallel_loop3A_413 : i1
      %parallel_loop3A_420 = arith.addi %parallel_loop3A_411, %parallel_loop3A_410 : i32
      %parallel_loop3A_421 = arith.select %parallel_loop3A_419, %parallel_loop3A_420, %parallel_loop3A_411 : i32
      %parallel_loop3A_422 = arith.constant 16 : i32
      %parallel_loop3A_423 = arith.muli %parallel_loop3A_421, %parallel_loop3A_422 : i32
      %parallel_loop3A_424 = arith.index_cast %parallel_loop3A_365 : i32 to index
      %parallel_loop3A_425 = arith.index_cast %parallel_loop3A_405 : i32 to index
      %parallel_loop3A_426 = arith.index_cast %parallel_loop3A_423 : i32 to index
      %parallel_loop3A_427 = tpu.vector_load %arg5[%parallel_loop3A_424, %parallel_loop3A_425, %parallel_loop3A_426] {strides = array<i32>} : memref<25x8x128xi32, #tpu.memory_space<vmem>>, vector<16xi32>,
      %parallel_loop3A_428 = tpu.vector_load_idx %arg8[%parallel_loop3A_427] : memref<16xf32, #tpu.memory_space<vmem>>[vector<16xi32>], vector<16xf32>,
      %parallel_loop3A_429 = tpu.vector_load_idx %arg9[%parallel_loop3A_427] : memref<16xf32, #tpu.memory_space<vmem>>[vector<16xi32>], vector<16xf32>,
      %parallel_loop3A_430 = arith.constant 8 : i32
      %parallel_loop3A_431 = arith.divsi %parallel_loop3A_341, %parallel_loop3A_430 : i32
      %parallel_loop3A_432 = arith.constant 0 : i32
      %parallel_loop3A_433 = arith.cmpi sgt, %parallel_loop3A_341, %parallel_loop3A_432 : i32
      %parallel_loop3A_434 = arith.extui %parallel_loop3A_433 : i1 to i32
      %parallel_loop3A_435 = arith.constant 0 : i32
      %parallel_loop3A_436 = arith.cmpi slt, %parallel_loop3A_341, %parallel_loop3A_435 : i32
      %parallel_loop3A_437 = arith.extui %parallel_loop3A_436 : i1 to i32
      %parallel_loop3A_438 = arith.subi %parallel_loop3A_434, %parallel_loop3A_437 : i32
      %parallel_loop3A_439 = arith.constant 0 : i32
      %parallel_loop3A_440 = arith.cmpi sgt, %parallel_loop3A_430, %parallel_loop3A_439 : i32
      %parallel_loop3A_441 = arith.extui %parallel_loop3A_440 : i1 to i32
      %parallel_loop3A_442 = arith.constant 0 : i32
      %parallel_loop3A_443 = arith.cmpi slt, %parallel_loop3A_430, %parallel_loop3A_442 : i32
      %parallel_loop3A_444 = arith.extui %parallel_loop3A_443 : i1 to i32
      %parallel_loop3A_445 = arith.subi %parallel_loop3A_441, %parallel_loop3A_444 : i32
      %parallel_loop3A_446 = arith.cmpi ne, %parallel_loop3A_438, %parallel_loop3A_445 : i32
      %parallel_loop3A_447 = arith.remsi %parallel_loop3A_341, %parallel_loop3A_430 : i32
      %parallel_loop3A_448 = arith.constant 0 : i32
      %parallel_loop3A_449 = arith.cmpi ne, %parallel_loop3A_447, %parallel_loop3A_448 : i32
      %parallel_loop3A_450 = arith.andi %parallel_loop3A_446, %parallel_loop3A_449 : i1
      %parallel_loop3A_451 = arith.constant 1 : i32
      %parallel_loop3A_452 = arith.subi %parallel_loop3A_431, %parallel_loop3A_451 : i32
      %parallel_loop3A_453 = arith.select %parallel_loop3A_450, %parallel_loop3A_452, %parallel_loop3A_431 : i32
      %parallel_loop3A_454 = arith.constant 8 : i32
      %parallel_loop3A_455 = arith.constant 0 : i32
      %parallel_loop3A_456 = arith.cmpi eq, %parallel_loop3A_454, %parallel_loop3A_455 : i32
      %parallel_loop3A_457 = arith.constant 1 : i32
      %parallel_loop3A_458 = arith.select %parallel_loop3A_456, %parallel_loop3A_457, %parallel_loop3A_454 : i32
      %parallel_loop3A_459 = arith.remsi %parallel_loop3A_341, %parallel_loop3A_458 : i32
      %parallel_loop3A_460 = arith.constant 0 : i32
      %parallel_loop3A_461 = arith.cmpi ne, %parallel_loop3A_459, %parallel_loop3A_460 : i32
      %parallel_loop3A_462 = arith.constant 0 : i32
      %parallel_loop3A_463 = arith.cmpi slt, %parallel_loop3A_459, %parallel_loop3A_462 : i32
      %parallel_loop3A_464 = arith.constant 0 : i32
      %parallel_loop3A_465 = arith.cmpi slt, %parallel_loop3A_458, %parallel_loop3A_464 : i32
      %parallel_loop3A_466 = arith.xori %parallel_loop3A_463, %parallel_loop3A_465 : i1
      %parallel_loop3A_467 = arith.andi %parallel_loop3A_466, %parallel_loop3A_461 : i1
      %parallel_loop3A_468 = arith.addi %parallel_loop3A_459, %parallel_loop3A_458 : i32
      %parallel_loop3A_469 = arith.select %parallel_loop3A_467, %parallel_loop3A_468, %parallel_loop3A_459 : i32
      %parallel_loop3A_470 = arith.constant 16 : i32
      %parallel_loop3A_471 = arith.muli %parallel_loop3A_469, %parallel_loop3A_470 : i32
      %parallel_loop3A_472 = arith.constant 0 : i32
      %parallel_loop3A_473 = arith.index_cast %parallel_loop3A_453 : i32 to index
      %parallel_loop3A_474 = arith.index_cast %parallel_loop3A_472 : i32 to index
      %parallel_loop3A_475 = arith.index_cast %parallel_loop3A_471 : i32 to index
      %parallel_loop3A_476 = tpu.vector_load %arg6[%parallel_loop3A_473, %parallel_loop3A_474, %parallel_loop3A_475] {strides = array<i32>} : memref<200x2x128xf32, #tpu.memory_space<vmem>>, vector<16xf32>,
      tpu.vector_store %arg6[%parallel_loop3A_473, %parallel_loop3A_474, %parallel_loop3A_475], %parallel_loop3A_428 {strides = array<i32>} : memref<200x2x128xf32, #tpu.memory_space<vmem>>, vector<16xf32>,
      %parallel_loop3A_477 = arith.constant 1 : i32
      %parallel_loop3A_478 = arith.index_cast %parallel_loop3A_453 : i32 to index
      %parallel_loop3A_479 = arith.index_cast %parallel_loop3A_477 : i32 to index
      %parallel_loop3A_480 = arith.index_cast %parallel_loop3A_471 : i32 to index
      %parallel_loop3A_481 = tpu.vector_load %arg6[%parallel_loop3A_478, %parallel_loop3A_479, %parallel_loop3A_480] {strides = array<i32>} : memref<200x2x128xf32, #tpu.memory_space<vmem>>, vector<16xf32>,
      tpu.vector_store %arg6[%parallel_loop3A_478, %parallel_loop3A_479, %parallel_loop3A_480], %parallel_loop3A_429 {strides = array<i32>} : memref<200x2x128xf32, #tpu.memory_space<vmem>>, vector<16xf32>,
    } {sc.loop_unroll_factor = 8 : i64, sc.parallel_access}
    %dma_start3A_134 = arith.constant 0 : i32
    %dma_start3A_135 = arith.constant 0 : i32
    %dma_start3A_136 = arith.constant 0 : i32
    %dma_start3A_137 = tpu.memref_slice %arg6[%dma_start3A_134, %dma_start3A_135, %dma_start3A_136] : memref<200x2x128xf32, #tpu.memory_space<vmem>> -> memref<56x2x128xf32, #tpu.memory_space<vmem>>
    %dma_start3A_138 = arith.constant 0 : i32
    %dma_start3A_139 = arith.constant 0 : i32
    %dma_start3A_140 = tpu.memref_slice %arg4[%dma_start3A_138, %mul3A_110, %dma_start3A_139] : memref<200x64x128xf32, #tpu.memory_space<hbm>> -> memref<200x2x128xf32, #tpu.memory_space<hbm>>
    %dma_start3A_141 = arith.constant 0 : i32
    %dma_start3A_142 = arith.constant 0 : i32
    %dma_start3A_143 = arith.constant 0 : i32
    %dma_start3A_144 = tpu.memref_slice %dma_start3A_140[%dma_start3A_141, %dma_start3A_142, %dma_start3A_143] : memref<200x2x128xf32, #tpu.memory_space<hbm>> -> memref<56x2x128xf32, #tpu.memory_space<hbm>>
    %dma_start3A_145 = arith.constant 0 : i32
    %dma_start3A_146 = arith.constant 0 : i32
    %dma_start3A_147 = tpu.memref_slice %arg4[%dma_start3A_145, %mul3A_110, %dma_start3A_146] : memref<200x64x128xf32, #tpu.memory_space<hbm>> -> memref<200x2x128xf32, #tpu.memory_space<hbm>>
    %dma_start3A_148 = arith.constant 0 : i32
    %dma_start3A_149 = arith.constant 0 : i32
    %dma_start3A_150 = arith.constant 0 : i32
    %dma_start3A_151 = tpu.memref_slice %dma_start3A_147[%dma_start3A_148, %dma_start3A_149, %dma_start3A_150] : memref<200x2x128xf32, #tpu.memory_space<hbm>> -> memref<56x2x128xf32, #tpu.memory_space<hbm>>
    %dma_start3A_152 = arith.constant 0 : i32
    %dma_start3A_153 = arith.constant 0 : i32
    %dma_start3A_154 = arith.constant 0 : i32
    %dma_start3A_155 = tpu.memref_slice %arg6[%dma_start3A_152, %dma_start3A_153, %dma_start3A_154] : memref<200x2x128xf32, #tpu.memory_space<vmem>> -> memref<56x2x128xf32, #tpu.memory_space<vmem>>
    tpu.enqueue_dma source(%dma_start3A_155 : memref<56x2x128xf32, #tpu.memory_space<vmem>>) target(%dma_start3A_151 : memref<56x2x128xf32, #tpu.memory_space<hbm>>) target_semaphore(%arg10 : memref<!tpu.dma_semaphore, #tpu.memory_space<semaphore_mem>>)
    %dma_wait3A_156 = arith.constant 7 : i32
    %dma_wait3A_157 = arith.constant 0 : i32
    %dma_wait3A_158 = arith.constant 0 : i32
    %dma_wait3A_159 = tpu.memref_slice %arg5[%dma_wait3A_156, %dma_wait3A_157, %dma_wait3A_158] : memref<25x8x128xi32, #tpu.memory_space<vmem>> -> memref<6x8x128xi32, #tpu.memory_space<vmem>>
    %dma_wait3A_160 = arith.constant 0 : i32
    %dma_wait3A_161 = arith.constant 0 : i32
    %dma_wait3A_162 = tpu.memref_slice %arg2[%dma_wait3A_160, %mul3A_2, %dma_wait3A_161] : memref<25x256x128xi32, #tpu.memory_space<hbm>> -> memref<25x8x128xi32, #tpu.memory_space<hbm>>
    %dma_wait3A_163 = arith.constant 7 : i32
    %dma_wait3A_164 = arith.constant 0 : i32
    %dma_wait3A_165 = arith.constant 0 : i32
    %dma_wait3A_166 = tpu.memref_slice %dma_wait3A_162[%dma_wait3A_163, %dma_wait3A_164, %dma_wait3A_165] : memref<25x8x128xi32, #tpu.memory_space<hbm>> -> memref<6x8x128xi32, #tpu.memory_space<hbm>>
    %dma_wait3A_167 = arith.constant 7 : i32
    %dma_wait3A_168 = arith.constant 0 : i32
    %dma_wait3A_169 = arith.constant 0 : i32
    %dma_wait3A_170 = tpu.memref_slice %arg5[%dma_wait3A_167, %dma_wait3A_168, %dma_wait3A_169] : memref<25x8x128xi32, #tpu.memory_space<vmem>> -> memref<6x8x128xi32, #tpu.memory_space<vmem>>
    %dma_wait3A_171 = arith.constant 0 : i32
    %dma_wait3A_172 = arith.constant 0 : i32
    %dma_wait3A_173 = tpu.memref_slice %arg2[%dma_wait3A_171, %mul3A_2, %dma_wait3A_172] : memref<25x256x128xi32, #tpu.memory_space<hbm>> -> memref<25x8x128xi32, #tpu.memory_space<hbm>>
    %dma_wait3A_174 = arith.constant 7 : i32
    %dma_wait3A_175 = arith.constant 0 : i32
    %dma_wait3A_176 = arith.constant 0 : i32
    %dma_wait3A_177 = tpu.memref_slice %dma_wait3A_173[%dma_wait3A_174, %dma_wait3A_175, %dma_wait3A_176] : memref<25x8x128xi32, #tpu.memory_space<hbm>> -> memref<6x8x128xi32, #tpu.memory_space<hbm>>
    tpu.wait_dma2 semaphore(%arg12 : memref<!tpu.dma_semaphore, #tpu.memory_space<semaphore_mem>>) src(%dma_wait3A_177 : memref<6x8x128xi32, #tpu.memory_space<hbm>>) dst(%dma_wait3A_170 : memref<6x8x128xi32, #tpu.memory_space<vmem>>)
    %parallel_loop3A_178 = arith.constant 448 : i32
    %parallel_loop3A_179 = arith.constant 832 : i32
    %parallel_loop3A_180 = arith.constant 1 : i32
    scf.for %parallel_loop3A_341 = %parallel_loop3A_178 to %parallel_loop3A_179 step %parallel_loop3A_180  : i32 {
      %parallel_loop3A_342 = arith.constant 64 : i32
      %parallel_loop3A_343 = arith.divsi %parallel_loop3A_341, %parallel_loop3A_342 : i32
      %parallel_loop3A_344 = arith.constant 0 : i32
      %parallel_loop3A_345 = arith.cmpi sgt, %parallel_loop3A_341, %parallel_loop3A_344 : i32
      %parallel_loop3A_346 = arith.extui %parallel_loop3A_345 : i1 to i32
      %parallel_loop3A_347 = arith.constant 0 : i32
      %parallel_loop3A_348 = arith.cmpi slt, %parallel_loop3A_341, %parallel_loop3A_347 : i32
      %parallel_loop3A_349 = arith.extui %parallel_loop3A_348 : i1 to i32
      %parallel_loop3A_350 = arith.subi %parallel_loop3A_346, %parallel_loop3A_349 : i32
      %parallel_loop3A_351 = arith.constant 0 : i32
      %parallel_loop3A_352 = arith.cmpi sgt, %parallel_loop3A_342, %parallel_loop3A_351 : i32
      %parallel_loop3A_353 = arith.extui %parallel_loop3A_352 : i1 to i32
      %parallel_loop3A_354 = arith.constant 0 : i32
      %parallel_loop3A_355 = arith.cmpi slt, %parallel_loop3A_342, %parallel_loop3A_354 : i32
      %parallel_loop3A_356 = arith.extui %parallel_loop3A_355 : i1 to i32
      %parallel_loop3A_357 = arith.subi %parallel_loop3A_353, %parallel_loop3A_356 : i32
      %parallel_loop3A_358 = arith.cmpi ne, %parallel_loop3A_350, %parallel_loop3A_357 : i32
      %parallel_loop3A_359 = arith.remsi %parallel_loop3A_341, %parallel_loop3A_342 : i32
      %parallel_loop3A_360 = arith.constant 0 : i32
      %parallel_loop3A_361 = arith.cmpi ne, %parallel_loop3A_359, %parallel_loop3A_360 : i32
      %parallel_loop3A_362 = arith.andi %parallel_loop3A_358, %parallel_loop3A_361 : i1
      %parallel_loop3A_363 = arith.constant 1 : i32
      %parallel_loop3A_364 = arith.subi %parallel_loop3A_343, %parallel_loop3A_363 : i32
      %parallel_loop3A_365 = arith.select %parallel_loop3A_362, %parallel_loop3A_364, %parallel_loop3A_343 : i32
      %parallel_loop3A_366 = arith.constant 8 : i32
      %parallel_loop3A_367 = arith.divsi %parallel_loop3A_341, %parallel_loop3A_366 : i32
      %parallel_loop3A_368 = arith.constant 0 : i32
      %parallel_loop3A_369 = arith.cmpi sgt, %parallel_loop3A_341, %parallel_loop3A_368 : i32
      %parallel_loop3A_370 = arith.extui %parallel_loop3A_369 : i1 to i32
      %parallel_loop3A_371 = arith.constant 0 : i32
      %parallel_loop3A_372 = arith.cmpi slt, %parallel_loop3A_341, %parallel_loop3A_371 : i32
      %parallel_loop3A_373 = arith.extui %parallel_loop3A_372 : i1 to i32
      %parallel_loop3A_374 = arith.subi %parallel_loop3A_370, %parallel_loop3A_373 : i32
      %parallel_loop3A_375 = arith.constant 0 : i32
      %parallel_loop3A_376 = arith.cmpi sgt, %parallel_loop3A_366, %parallel_loop3A_375 : i32
      %parallel_loop3A_377 = arith.extui %parallel_loop3A_376 : i1 to i32
      %parallel_loop3A_378 = arith.constant 0 : i32
      %parallel_loop3A_379 = arith.cmpi slt, %parallel_loop3A_366, %parallel_loop3A_378 : i32
      %parallel_loop3A_380 = arith.extui %parallel_loop3A_379 : i1 to i32
      %parallel_loop3A_381 = arith.subi %parallel_loop3A_377, %parallel_loop3A_380 : i32
      %parallel_loop3A_382 = arith.cmpi ne, %parallel_loop3A_374, %parallel_loop3A_381 : i32
      %parallel_loop3A_383 = arith.remsi %parallel_loop3A_341, %parallel_loop3A_366 : i32
      %parallel_loop3A_384 = arith.constant 0 : i32
      %parallel_loop3A_385 = arith.cmpi ne, %parallel_loop3A_383, %parallel_loop3A_384 : i32
      %parallel_loop3A_386 = arith.andi %parallel_loop3A_382, %parallel_loop3A_385 : i1
      %parallel_loop3A_387 = arith.constant 1 : i32
      %parallel_loop3A_388 = arith.subi %parallel_loop3A_367, %parallel_loop3A_387 : i32
      %parallel_loop3A_389 = arith.select %parallel_loop3A_386, %parallel_loop3A_388, %parallel_loop3A_367 : i32
      %parallel_loop3A_390 = arith.constant 8 : i32
      %parallel_loop3A_391 = arith.constant 0 : i32
      %parallel_loop3A_392 = arith.cmpi eq, %parallel_loop3A_390, %parallel_loop3A_391 : i32
      %parallel_loop3A_393 = arith.constant 1 : i32
      %parallel_loop3A_394 = arith.select %parallel_loop3A_392, %parallel_loop3A_393, %parallel_loop3A_390 : i32
      %parallel_loop3A_395 = arith.remsi %parallel_loop3A_389, %parallel_loop3A_394 : i32
      %parallel_loop3A_396 = arith.constant 0 : i32
      %parallel_loop3A_397 = arith.cmpi ne, %parallel_loop3A_395, %parallel_loop3A_396 : i32
      %parallel_loop3A_398 = arith.constant 0 : i32
      %parallel_loop3A_399 = arith.cmpi slt, %parallel_loop3A_395, %parallel_loop3A_398 : i32
      %parallel_loop3A_400 = arith.constant 0 : i32
      %parallel_loop3A_401 = arith.cmpi slt, %parallel_loop3A_394, %parallel_loop3A_400 : i32
      %parallel_loop3A_402 = arith.xori %parallel_loop3A_399, %parallel_loop3A_401 : i1
      %parallel_loop3A_403 = arith.andi %parallel_loop3A_402, %parallel_loop3A_397 : i1
      %parallel_loop3A_404 = arith.addi %parallel_loop3A_395, %parallel_loop3A_394 : i32
      %parallel_loop3A_405 = arith.select %parallel_loop3A_403, %parallel_loop3A_404, %parallel_loop3A_395 : i32
      %parallel_loop3A_406 = arith.constant 8 : i32
      %parallel_loop3A_407 = arith.constant 0 : i32
      %parallel_loop3A_408 = arith.cmpi eq, %parallel_loop3A_406, %parallel_loop3A_407 : i32
      %parallel_loop3A_409 = arith.constant 1 : i32
      %parallel_loop3A_410 = arith.select %parallel_loop3A_408, %parallel_loop3A_409, %parallel_loop3A_406 : i32
      %parallel_loop3A_411 = arith.remsi %parallel_loop3A_341, %parallel_loop3A_410 : i32
      %parallel_loop3A_412 = arith.constant 0 : i32
      %parallel_loop3A_413 = arith.cmpi ne, %parallel_loop3A_411, %parallel_loop3A_412 : i32
      %parallel_loop3A_414 = arith.constant 0 : i32
      %parallel_loop3A_415 = arith.cmpi slt, %parallel_loop3A_411, %parallel_loop3A_414 : i32
      %parallel_loop3A_416 = arith.constant 0 : i32
      %parallel_loop3A_417 = arith.cmpi slt, %parallel_loop3A_410, %parallel_loop3A_416 : i32
      %parallel_loop3A_418 = arith.xori %parallel_loop3A_415, %parallel_loop3A_417 : i1
      %parallel_loop3A_419 = arith.andi %parallel_loop3A_418, %parallel_loop3A_413 : i1
      %parallel_loop3A_420 = arith.addi %parallel_loop3A_411, %parallel_loop3A_410 : i32
      %parallel_loop3A_421 = arith.select %parallel_loop3A_419, %parallel_loop3A_420, %parallel_loop3A_411 : i32
      %parallel_loop3A_422 = arith.constant 16 : i32
      %parallel_loop3A_423 = arith.muli %parallel_loop3A_421, %parallel_loop3A_422 : i32
      %parallel_loop3A_424 = arith.index_cast %parallel_loop3A_365 : i32 to index
      %parallel_loop3A_425 = arith.index_cast %parallel_loop3A_405 : i32 to index
      %parallel_loop3A_426 = arith.index_cast %parallel_loop3A_423 : i32 to index
      %parallel_loop3A_427 = tpu.vector_load %arg5[%parallel_loop3A_424, %parallel_loop3A_425, %parallel_loop3A_426] {strides = array<i32>} : memref<25x8x128xi32, #tpu.memory_space<vmem>>, vector<16xi32>,
      %parallel_loop3A_428 = tpu.vector_load_idx %arg8[%parallel_loop3A_427] : memref<16xf32, #tpu.memory_space<vmem>>[vector<16xi32>], vector<16xf32>,
      %parallel_loop3A_429 = tpu.vector_load_idx %arg9[%parallel_loop3A_427] : memref<16xf32, #tpu.memory_space<vmem>>[vector<16xi32>], vector<16xf32>,
      %parallel_loop3A_430 = arith.constant 8 : i32
      %parallel_loop3A_431 = arith.divsi %parallel_loop3A_341, %parallel_loop3A_430 : i32
      %parallel_loop3A_432 = arith.constant 0 : i32
      %parallel_loop3A_433 = arith.cmpi sgt, %parallel_loop3A_341, %parallel_loop3A_432 : i32
      %parallel_loop3A_434 = arith.extui %parallel_loop3A_433 : i1 to i32
      %parallel_loop3A_435 = arith.constant 0 : i32
      %parallel_loop3A_436 = arith.cmpi slt, %parallel_loop3A_341, %parallel_loop3A_435 : i32
      %parallel_loop3A_437 = arith.extui %parallel_loop3A_436 : i1 to i32
      %parallel_loop3A_438 = arith.subi %parallel_loop3A_434, %parallel_loop3A_437 : i32
      %parallel_loop3A_439 = arith.constant 0 : i32
      %parallel_loop3A_440 = arith.cmpi sgt, %parallel_loop3A_430, %parallel_loop3A_439 : i32
      %parallel_loop3A_441 = arith.extui %parallel_loop3A_440 : i1 to i32
      %parallel_loop3A_442 = arith.constant 0 : i32
      %parallel_loop3A_443 = arith.cmpi slt, %parallel_loop3A_430, %parallel_loop3A_442 : i32
      %parallel_loop3A_444 = arith.extui %parallel_loop3A_443 : i1 to i32
      %parallel_loop3A_445 = arith.subi %parallel_loop3A_441, %parallel_loop3A_444 : i32
      %parallel_loop3A_446 = arith.cmpi ne, %parallel_loop3A_438, %parallel_loop3A_445 : i32
      %parallel_loop3A_447 = arith.remsi %parallel_loop3A_341, %parallel_loop3A_430 : i32
      %parallel_loop3A_448 = arith.constant 0 : i32
      %parallel_loop3A_449 = arith.cmpi ne, %parallel_loop3A_447, %parallel_loop3A_448 : i32
      %parallel_loop3A_450 = arith.andi %parallel_loop3A_446, %parallel_loop3A_449 : i1
      %parallel_loop3A_451 = arith.constant 1 : i32
      %parallel_loop3A_452 = arith.subi %parallel_loop3A_431, %parallel_loop3A_451 : i32
      %parallel_loop3A_453 = arith.select %parallel_loop3A_450, %parallel_loop3A_452, %parallel_loop3A_431 : i32
      %parallel_loop3A_454 = arith.constant 8 : i32
      %parallel_loop3A_455 = arith.constant 0 : i32
      %parallel_loop3A_456 = arith.cmpi eq, %parallel_loop3A_454, %parallel_loop3A_455 : i32
      %parallel_loop3A_457 = arith.constant 1 : i32
      %parallel_loop3A_458 = arith.select %parallel_loop3A_456, %parallel_loop3A_457, %parallel_loop3A_454 : i32
      %parallel_loop3A_459 = arith.remsi %parallel_loop3A_341, %parallel_loop3A_458 : i32
      %parallel_loop3A_460 = arith.constant 0 : i32
      %parallel_loop3A_461 = arith.cmpi ne, %parallel_loop3A_459, %parallel_loop3A_460 : i32
      %parallel_loop3A_462 = arith.constant 0 : i32
      %parallel_loop3A_463 = arith.cmpi slt, %parallel_loop3A_459, %parallel_loop3A_462 : i32
      %parallel_loop3A_464 = arith.constant 0 : i32
      %parallel_loop3A_465 = arith.cmpi slt, %parallel_loop3A_458, %parallel_loop3A_464 : i32
      %parallel_loop3A_466 = arith.xori %parallel_loop3A_463, %parallel_loop3A_465 : i1
      %parallel_loop3A_467 = arith.andi %parallel_loop3A_466, %parallel_loop3A_461 : i1
      %parallel_loop3A_468 = arith.addi %parallel_loop3A_459, %parallel_loop3A_458 : i32
      %parallel_loop3A_469 = arith.select %parallel_loop3A_467, %parallel_loop3A_468, %parallel_loop3A_459 : i32
      %parallel_loop3A_470 = arith.constant 16 : i32
      %parallel_loop3A_471 = arith.muli %parallel_loop3A_469, %parallel_loop3A_470 : i32
      %parallel_loop3A_472 = arith.constant 0 : i32
      %parallel_loop3A_473 = arith.index_cast %parallel_loop3A_453 : i32 to index
      %parallel_loop3A_474 = arith.index_cast %parallel_loop3A_472 : i32 to index
      %parallel_loop3A_475 = arith.index_cast %parallel_loop3A_471 : i32 to index
      %parallel_loop3A_476 = tpu.vector_load %arg6[%parallel_loop3A_473, %parallel_loop3A_474, %parallel_loop3A_475] {strides = array<i32>} : memref<200x2x128xf32, #tpu.memory_space<vmem>>, vector<16xf32>,
      tpu.vector_store %arg6[%parallel_loop3A_473, %parallel_loop3A_474, %parallel_loop3A_475], %parallel_loop3A_428 {strides = array<i32>} : memref<200x2x128xf32, #tpu.memory_space<vmem>>, vector<16xf32>,
      %parallel_loop3A_477 = arith.constant 1 : i32
      %parallel_loop3A_478 = arith.index_cast %parallel_loop3A_453 : i32 to index
      %parallel_loop3A_479 = arith.index_cast %parallel_loop3A_477 : i32 to index
      %parallel_loop3A_480 = arith.index_cast %parallel_loop3A_471 : i32 to index
      %parallel_loop3A_481 = tpu.vector_load %arg6[%parallel_loop3A_478, %parallel_loop3A_479, %parallel_loop3A_480] {strides = array<i32>} : memref<200x2x128xf32, #tpu.memory_space<vmem>>, vector<16xf32>,
      tpu.vector_store %arg6[%parallel_loop3A_478, %parallel_loop3A_479, %parallel_loop3A_480], %parallel_loop3A_429 {strides = array<i32>} : memref<200x2x128xf32, #tpu.memory_space<vmem>>, vector<16xf32>,
    } {sc.loop_unroll_factor = 8 : i64, sc.parallel_access}
    %dma_start3A_181 = arith.constant 56 : i32
    %dma_start3A_182 = arith.constant 0 : i32
    %dma_start3A_183 = arith.constant 0 : i32
    %dma_start3A_184 = tpu.memref_slice %arg6[%dma_start3A_181, %dma_start3A_182, %dma_start3A_183] : memref<200x2x128xf32, #tpu.memory_space<vmem>> -> memref<48x2x128xf32, #tpu.memory_space<vmem>>
    %dma_start3A_185 = arith.constant 0 : i32
    %dma_start3A_186 = arith.constant 0 : i32
    %dma_start3A_187 = tpu.memref_slice %arg4[%dma_start3A_185, %mul3A_110, %dma_start3A_186] : memref<200x64x128xf32, #tpu.memory_space<hbm>> -> memref<200x2x128xf32, #tpu.memory_space<hbm>>
    %dma_start3A_188 = arith.constant 56 : i32
    %dma_start3A_189 = arith.constant 0 : i32
    %dma_start3A_190 = arith.constant 0 : i32
    %dma_start3A_191 = tpu.memref_slice %dma_start3A_187[%dma_start3A_188, %dma_start3A_189, %dma_start3A_190] : memref<200x2x128xf32, #tpu.memory_space<hbm>> -> memref<48x2x128xf32, #tpu.memory_space<hbm>>
    %dma_start3A_192 = arith.constant 0 : i32
    %dma_start3A_193 = arith.constant 0 : i32
    %dma_start3A_194 = tpu.memref_slice %arg4[%dma_start3A_192, %mul3A_110, %dma_start3A_193] : memref<200x64x128xf32, #tpu.memory_space<hbm>> -> memref<200x2x128xf32, #tpu.memory_space<hbm>>
    %dma_start3A_195 = arith.constant 56 : i32
    %dma_start3A_196 = arith.constant 0 : i32
    %dma_start3A_197 = arith.constant 0 : i32
    %dma_start3A_198 = tpu.memref_slice %dma_start3A_194[%dma_start3A_195, %dma_start3A_196, %dma_start3A_197] : memref<200x2x128xf32, #tpu.memory_space<hbm>> -> memref<48x2x128xf32, #tpu.memory_space<hbm>>
    %dma_start3A_199 = arith.constant 56 : i32
    %dma_start3A_200 = arith.constant 0 : i32
    %dma_start3A_201 = arith.constant 0 : i32
    %dma_start3A_202 = tpu.memref_slice %arg6[%dma_start3A_199, %dma_start3A_200, %dma_start3A_201] : memref<200x2x128xf32, #tpu.memory_space<vmem>> -> memref<48x2x128xf32, #tpu.memory_space<vmem>>
    tpu.enqueue_dma source(%dma_start3A_202 : memref<48x2x128xf32, #tpu.memory_space<vmem>>) target(%dma_start3A_198 : memref<48x2x128xf32, #tpu.memory_space<hbm>>) target_semaphore(%arg10 : memref<!tpu.dma_semaphore, #tpu.memory_space<semaphore_mem>>)
    %dma_wait3A_203 = arith.constant 13 : i32
    %dma_wait3A_204 = arith.constant 0 : i32
    %dma_wait3A_205 = arith.constant 0 : i32
    %dma_wait3A_206 = tpu.memref_slice %arg5[%dma_wait3A_203, %dma_wait3A_204, %dma_wait3A_205] : memref<25x8x128xi32, #tpu.memory_space<vmem>> -> memref<6x8x128xi32, #tpu.memory_space<vmem>>
    %dma_wait3A_207 = arith.constant 0 : i32
    %dma_wait3A_208 = arith.constant 0 : i32
    %dma_wait3A_209 = tpu.memref_slice %arg2[%dma_wait3A_207, %mul3A_2, %dma_wait3A_208] : memref<25x256x128xi32, #tpu.memory_space<hbm>> -> memref<25x8x128xi32, #tpu.memory_space<hbm>>
    %dma_wait3A_210 = arith.constant 13 : i32
    %dma_wait3A_211 = arith.constant 0 : i32
    %dma_wait3A_212 = arith.constant 0 : i32
    %dma_wait3A_213 = tpu.memref_slice %dma_wait3A_209[%dma_wait3A_210, %dma_wait3A_211, %dma_wait3A_212] : memref<25x8x128xi32, #tpu.memory_space<hbm>> -> memref<6x8x128xi32, #tpu.memory_space<hbm>>
    %dma_wait3A_214 = arith.constant 13 : i32
    %dma_wait3A_215 = arith.constant 0 : i32
    %dma_wait3A_216 = arith.constant 0 : i32
    %dma_wait3A_217 = tpu.memref_slice %arg5[%dma_wait3A_214, %dma_wait3A_215, %dma_wait3A_216] : memref<25x8x128xi32, #tpu.memory_space<vmem>> -> memref<6x8x128xi32, #tpu.memory_space<vmem>>
    %dma_wait3A_218 = arith.constant 0 : i32
    %dma_wait3A_219 = arith.constant 0 : i32
    %dma_wait3A_220 = tpu.memref_slice %arg2[%dma_wait3A_218, %mul3A_2, %dma_wait3A_219] : memref<25x256x128xi32, #tpu.memory_space<hbm>> -> memref<25x8x128xi32, #tpu.memory_space<hbm>>
    %dma_wait3A_221 = arith.constant 13 : i32
    %dma_wait3A_222 = arith.constant 0 : i32
    %dma_wait3A_223 = arith.constant 0 : i32
    %dma_wait3A_224 = tpu.memref_slice %dma_wait3A_220[%dma_wait3A_221, %dma_wait3A_222, %dma_wait3A_223] : memref<25x8x128xi32, #tpu.memory_space<hbm>> -> memref<6x8x128xi32, #tpu.memory_space<hbm>>
    tpu.wait_dma2 semaphore(%arg13 : memref<!tpu.dma_semaphore, #tpu.memory_space<semaphore_mem>>) src(%dma_wait3A_224 : memref<6x8x128xi32, #tpu.memory_space<hbm>>) dst(%dma_wait3A_217 : memref<6x8x128xi32, #tpu.memory_space<vmem>>)
    %parallel_loop3A_225 = arith.constant 832 : i32
    %parallel_loop3A_226 = arith.constant 1216 : i32
    %parallel_loop3A_227 = arith.constant 1 : i32
    scf.for %parallel_loop3A_341 = %parallel_loop3A_225 to %parallel_loop3A_226 step %parallel_loop3A_227  : i32 {
      %parallel_loop3A_342 = arith.constant 64 : i32
      %parallel_loop3A_343 = arith.divsi %parallel_loop3A_341, %parallel_loop3A_342 : i32
      %parallel_loop3A_344 = arith.constant 0 : i32
      %parallel_loop3A_345 = arith.cmpi sgt, %parallel_loop3A_341, %parallel_loop3A_344 : i32
      %parallel_loop3A_346 = arith.extui %parallel_loop3A_345 : i1 to i32
      %parallel_loop3A_347 = arith.constant 0 : i32
      %parallel_loop3A_348 = arith.cmpi slt, %parallel_loop3A_341, %parallel_loop3A_347 : i32
      %parallel_loop3A_349 = arith.extui %parallel_loop3A_348 : i1 to i32
      %parallel_loop3A_350 = arith.subi %parallel_loop3A_346, %parallel_loop3A_349 : i32
      %parallel_loop3A_351 = arith.constant 0 : i32
      %parallel_loop3A_352 = arith.cmpi sgt, %parallel_loop3A_342, %parallel_loop3A_351 : i32
      %parallel_loop3A_353 = arith.extui %parallel_loop3A_352 : i1 to i32
      %parallel_loop3A_354 = arith.constant 0 : i32
      %parallel_loop3A_355 = arith.cmpi slt, %parallel_loop3A_342, %parallel_loop3A_354 : i32
      %parallel_loop3A_356 = arith.extui %parallel_loop3A_355 : i1 to i32
      %parallel_loop3A_357 = arith.subi %parallel_loop3A_353, %parallel_loop3A_356 : i32
      %parallel_loop3A_358 = arith.cmpi ne, %parallel_loop3A_350, %parallel_loop3A_357 : i32
      %parallel_loop3A_359 = arith.remsi %parallel_loop3A_341, %parallel_loop3A_342 : i32
      %parallel_loop3A_360 = arith.constant 0 : i32
      %parallel_loop3A_361 = arith.cmpi ne, %parallel_loop3A_359, %parallel_loop3A_360 : i32
      %parallel_loop3A_362 = arith.andi %parallel_loop3A_358, %parallel_loop3A_361 : i1
      %parallel_loop3A_363 = arith.constant 1 : i32
      %parallel_loop3A_364 = arith.subi %parallel_loop3A_343, %parallel_loop3A_363 : i32
      %parallel_loop3A_365 = arith.select %parallel_loop3A_362, %parallel_loop3A_364, %parallel_loop3A_343 : i32
      %parallel_loop3A_366 = arith.constant 8 : i32
      %parallel_loop3A_367 = arith.divsi %parallel_loop3A_341, %parallel_loop3A_366 : i32
      %parallel_loop3A_368 = arith.constant 0 : i32
      %parallel_loop3A_369 = arith.cmpi sgt, %parallel_loop3A_341, %parallel_loop3A_368 : i32
      %parallel_loop3A_370 = arith.extui %parallel_loop3A_369 : i1 to i32
      %parallel_loop3A_371 = arith.constant 0 : i32
      %parallel_loop3A_372 = arith.cmpi slt, %parallel_loop3A_341, %parallel_loop3A_371 : i32
      %parallel_loop3A_373 = arith.extui %parallel_loop3A_372 : i1 to i32
      %parallel_loop3A_374 = arith.subi %parallel_loop3A_370, %parallel_loop3A_373 : i32
      %parallel_loop3A_375 = arith.constant 0 : i32
      %parallel_loop3A_376 = arith.cmpi sgt, %parallel_loop3A_366, %parallel_loop3A_375 : i32
      %parallel_loop3A_377 = arith.extui %parallel_loop3A_376 : i1 to i32
      %parallel_loop3A_378 = arith.constant 0 : i32
      %parallel_loop3A_379 = arith.cmpi slt, %parallel_loop3A_366, %parallel_loop3A_378 : i32
      %parallel_loop3A_380 = arith.extui %parallel_loop3A_379 : i1 to i32
      %parallel_loop3A_381 = arith.subi %parallel_loop3A_377, %parallel_loop3A_380 : i32
      %parallel_loop3A_382 = arith.cmpi ne, %parallel_loop3A_374, %parallel_loop3A_381 : i32
      %parallel_loop3A_383 = arith.remsi %parallel_loop3A_341, %parallel_loop3A_366 : i32
      %parallel_loop3A_384 = arith.constant 0 : i32
      %parallel_loop3A_385 = arith.cmpi ne, %parallel_loop3A_383, %parallel_loop3A_384 : i32
      %parallel_loop3A_386 = arith.andi %parallel_loop3A_382, %parallel_loop3A_385 : i1
      %parallel_loop3A_387 = arith.constant 1 : i32
      %parallel_loop3A_388 = arith.subi %parallel_loop3A_367, %parallel_loop3A_387 : i32
      %parallel_loop3A_389 = arith.select %parallel_loop3A_386, %parallel_loop3A_388, %parallel_loop3A_367 : i32
      %parallel_loop3A_390 = arith.constant 8 : i32
      %parallel_loop3A_391 = arith.constant 0 : i32
      %parallel_loop3A_392 = arith.cmpi eq, %parallel_loop3A_390, %parallel_loop3A_391 : i32
      %parallel_loop3A_393 = arith.constant 1 : i32
      %parallel_loop3A_394 = arith.select %parallel_loop3A_392, %parallel_loop3A_393, %parallel_loop3A_390 : i32
      %parallel_loop3A_395 = arith.remsi %parallel_loop3A_389, %parallel_loop3A_394 : i32
      %parallel_loop3A_396 = arith.constant 0 : i32
      %parallel_loop3A_397 = arith.cmpi ne, %parallel_loop3A_395, %parallel_loop3A_396 : i32
      %parallel_loop3A_398 = arith.constant 0 : i32
      %parallel_loop3A_399 = arith.cmpi slt, %parallel_loop3A_395, %parallel_loop3A_398 : i32
      %parallel_loop3A_400 = arith.constant 0 : i32
      %parallel_loop3A_401 = arith.cmpi slt, %parallel_loop3A_394, %parallel_loop3A_400 : i32
      %parallel_loop3A_402 = arith.xori %parallel_loop3A_399, %parallel_loop3A_401 : i1
      %parallel_loop3A_403 = arith.andi %parallel_loop3A_402, %parallel_loop3A_397 : i1
      %parallel_loop3A_404 = arith.addi %parallel_loop3A_395, %parallel_loop3A_394 : i32
      %parallel_loop3A_405 = arith.select %parallel_loop3A_403, %parallel_loop3A_404, %parallel_loop3A_395 : i32
      %parallel_loop3A_406 = arith.constant 8 : i32
      %parallel_loop3A_407 = arith.constant 0 : i32
      %parallel_loop3A_408 = arith.cmpi eq, %parallel_loop3A_406, %parallel_loop3A_407 : i32
      %parallel_loop3A_409 = arith.constant 1 : i32
      %parallel_loop3A_410 = arith.select %parallel_loop3A_408, %parallel_loop3A_409, %parallel_loop3A_406 : i32
      %parallel_loop3A_411 = arith.remsi %parallel_loop3A_341, %parallel_loop3A_410 : i32
      %parallel_loop3A_412 = arith.constant 0 : i32
      %parallel_loop3A_413 = arith.cmpi ne, %parallel_loop3A_411, %parallel_loop3A_412 : i32
      %parallel_loop3A_414 = arith.constant 0 : i32
      %parallel_loop3A_415 = arith.cmpi slt, %parallel_loop3A_411, %parallel_loop3A_414 : i32
      %parallel_loop3A_416 = arith.constant 0 : i32
      %parallel_loop3A_417 = arith.cmpi slt, %parallel_loop3A_410, %parallel_loop3A_416 : i32
      %parallel_loop3A_418 = arith.xori %parallel_loop3A_415, %parallel_loop3A_417 : i1
      %parallel_loop3A_419 = arith.andi %parallel_loop3A_418, %parallel_loop3A_413 : i1
      %parallel_loop3A_420 = arith.addi %parallel_loop3A_411, %parallel_loop3A_410 : i32
      %parallel_loop3A_421 = arith.select %parallel_loop3A_419, %parallel_loop3A_420, %parallel_loop3A_411 : i32
      %parallel_loop3A_422 = arith.constant 16 : i32
      %parallel_loop3A_423 = arith.muli %parallel_loop3A_421, %parallel_loop3A_422 : i32
      %parallel_loop3A_424 = arith.index_cast %parallel_loop3A_365 : i32 to index
      %parallel_loop3A_425 = arith.index_cast %parallel_loop3A_405 : i32 to index
      %parallel_loop3A_426 = arith.index_cast %parallel_loop3A_423 : i32 to index
      %parallel_loop3A_427 = tpu.vector_load %arg5[%parallel_loop3A_424, %parallel_loop3A_425, %parallel_loop3A_426] {strides = array<i32>} : memref<25x8x128xi32, #tpu.memory_space<vmem>>, vector<16xi32>,
      %parallel_loop3A_428 = tpu.vector_load_idx %arg8[%parallel_loop3A_427] : memref<16xf32, #tpu.memory_space<vmem>>[vector<16xi32>], vector<16xf32>,
      %parallel_loop3A_429 = tpu.vector_load_idx %arg9[%parallel_loop3A_427] : memref<16xf32, #tpu.memory_space<vmem>>[vector<16xi32>], vector<16xf32>,
      %parallel_loop3A_430 = arith.constant 8 : i32
      %parallel_loop3A_431 = arith.divsi %parallel_loop3A_341, %parallel_loop3A_430 : i32
      %parallel_loop3A_432 = arith.constant 0 : i32
      %parallel_loop3A_433 = arith.cmpi sgt, %parallel_loop3A_341, %parallel_loop3A_432 : i32
      %parallel_loop3A_434 = arith.extui %parallel_loop3A_433 : i1 to i32
      %parallel_loop3A_435 = arith.constant 0 : i32
      %parallel_loop3A_436 = arith.cmpi slt, %parallel_loop3A_341, %parallel_loop3A_435 : i32
      %parallel_loop3A_437 = arith.extui %parallel_loop3A_436 : i1 to i32
      %parallel_loop3A_438 = arith.subi %parallel_loop3A_434, %parallel_loop3A_437 : i32
      %parallel_loop3A_439 = arith.constant 0 : i32
      %parallel_loop3A_440 = arith.cmpi sgt, %parallel_loop3A_430, %parallel_loop3A_439 : i32
      %parallel_loop3A_441 = arith.extui %parallel_loop3A_440 : i1 to i32
      %parallel_loop3A_442 = arith.constant 0 : i32
      %parallel_loop3A_443 = arith.cmpi slt, %parallel_loop3A_430, %parallel_loop3A_442 : i32
      %parallel_loop3A_444 = arith.extui %parallel_loop3A_443 : i1 to i32
      %parallel_loop3A_445 = arith.subi %parallel_loop3A_441, %parallel_loop3A_444 : i32
      %parallel_loop3A_446 = arith.cmpi ne, %parallel_loop3A_438, %parallel_loop3A_445 : i32
      %parallel_loop3A_447 = arith.remsi %parallel_loop3A_341, %parallel_loop3A_430 : i32
      %parallel_loop3A_448 = arith.constant 0 : i32
      %parallel_loop3A_449 = arith.cmpi ne, %parallel_loop3A_447, %parallel_loop3A_448 : i32
      %parallel_loop3A_450 = arith.andi %parallel_loop3A_446, %parallel_loop3A_449 : i1
      %parallel_loop3A_451 = arith.constant 1 : i32
      %parallel_loop3A_452 = arith.subi %parallel_loop3A_431, %parallel_loop3A_451 : i32
      %parallel_loop3A_453 = arith.select %parallel_loop3A_450, %parallel_loop3A_452, %parallel_loop3A_431 : i32
      %parallel_loop3A_454 = arith.constant 8 : i32
      %parallel_loop3A_455 = arith.constant 0 : i32
      %parallel_loop3A_456 = arith.cmpi eq, %parallel_loop3A_454, %parallel_loop3A_455 : i32
      %parallel_loop3A_457 = arith.constant 1 : i32
      %parallel_loop3A_458 = arith.select %parallel_loop3A_456, %parallel_loop3A_457, %parallel_loop3A_454 : i32
      %parallel_loop3A_459 = arith.remsi %parallel_loop3A_341, %parallel_loop3A_458 : i32
      %parallel_loop3A_460 = arith.constant 0 : i32
      %parallel_loop3A_461 = arith.cmpi ne, %parallel_loop3A_459, %parallel_loop3A_460 : i32
      %parallel_loop3A_462 = arith.constant 0 : i32
      %parallel_loop3A_463 = arith.cmpi slt, %parallel_loop3A_459, %parallel_loop3A_462 : i32
      %parallel_loop3A_464 = arith.constant 0 : i32
      %parallel_loop3A_465 = arith.cmpi slt, %parallel_loop3A_458, %parallel_loop3A_464 : i32
      %parallel_loop3A_466 = arith.xori %parallel_loop3A_463, %parallel_loop3A_465 : i1
      %parallel_loop3A_467 = arith.andi %parallel_loop3A_466, %parallel_loop3A_461 : i1
      %parallel_loop3A_468 = arith.addi %parallel_loop3A_459, %parallel_loop3A_458 : i32
      %parallel_loop3A_469 = arith.select %parallel_loop3A_467, %parallel_loop3A_468, %parallel_loop3A_459 : i32
      %parallel_loop3A_470 = arith.constant 16 : i32
      %parallel_loop3A_471 = arith.muli %parallel_loop3A_469, %parallel_loop3A_470 : i32
      %parallel_loop3A_472 = arith.constant 0 : i32
      %parallel_loop3A_473 = arith.index_cast %parallel_loop3A_453 : i32 to index
      %parallel_loop3A_474 = arith.index_cast %parallel_loop3A_472 : i32 to index
      %parallel_loop3A_475 = arith.index_cast %parallel_loop3A_471 : i32 to index
      %parallel_loop3A_476 = tpu.vector_load %arg6[%parallel_loop3A_473, %parallel_loop3A_474, %parallel_loop3A_475] {strides = array<i32>} : memref<200x2x128xf32, #tpu.memory_space<vmem>>, vector<16xf32>,
      tpu.vector_store %arg6[%parallel_loop3A_473, %parallel_loop3A_474, %parallel_loop3A_475], %parallel_loop3A_428 {strides = array<i32>} : memref<200x2x128xf32, #tpu.memory_space<vmem>>, vector<16xf32>,
      %parallel_loop3A_477 = arith.constant 1 : i32
      %parallel_loop3A_478 = arith.index_cast %parallel_loop3A_453 : i32 to index
      %parallel_loop3A_479 = arith.index_cast %parallel_loop3A_477 : i32 to index
      %parallel_loop3A_480 = arith.index_cast %parallel_loop3A_471 : i32 to index
      %parallel_loop3A_481 = tpu.vector_load %arg6[%parallel_loop3A_478, %parallel_loop3A_479, %parallel_loop3A_480] {strides = array<i32>} : memref<200x2x128xf32, #tpu.memory_space<vmem>>, vector<16xf32>,
      tpu.vector_store %arg6[%parallel_loop3A_478, %parallel_loop3A_479, %parallel_loop3A_480], %parallel_loop3A_429 {strides = array<i32>} : memref<200x2x128xf32, #tpu.memory_space<vmem>>, vector<16xf32>,
    } {sc.loop_unroll_factor = 8 : i64, sc.parallel_access}
    %dma_start3A_228 = arith.constant 104 : i32
    %dma_start3A_229 = arith.constant 0 : i32
    %dma_start3A_230 = arith.constant 0 : i32
    %dma_start3A_231 = tpu.memref_slice %arg6[%dma_start3A_228, %dma_start3A_229, %dma_start3A_230] : memref<200x2x128xf32, #tpu.memory_space<vmem>> -> memref<48x2x128xf32, #tpu.memory_space<vmem>>
    %dma_start3A_232 = arith.constant 0 : i32
    %dma_start3A_233 = arith.constant 0 : i32
    %dma_start3A_234 = tpu.memref_slice %arg4[%dma_start3A_232, %mul3A_110, %dma_start3A_233] : memref<200x64x128xf32, #tpu.memory_space<hbm>> -> memref<200x2x128xf32, #tpu.memory_space<hbm>>
    %dma_start3A_235 = arith.constant 104 : i32
    %dma_start3A_236 = arith.constant 0 : i32
    %dma_start3A_237 = arith.constant 0 : i32
    %dma_start3A_238 = tpu.memref_slice %dma_start3A_234[%dma_start3A_235, %dma_start3A_236, %dma_start3A_237] : memref<200x2x128xf32, #tpu.memory_space<hbm>> -> memref<48x2x128xf32, #tpu.memory_space<hbm>>
    %dma_start3A_239 = arith.constant 0 : i32
    %dma_start3A_240 = arith.constant 0 : i32
    %dma_start3A_241 = tpu.memref_slice %arg4[%dma_start3A_239, %mul3A_110, %dma_start3A_240] : memref<200x64x128xf32, #tpu.memory_space<hbm>> -> memref<200x2x128xf32, #tpu.memory_space<hbm>>
    %dma_start3A_242 = arith.constant 104 : i32
    %dma_start3A_243 = arith.constant 0 : i32
    %dma_start3A_244 = arith.constant 0 : i32
    %dma_start3A_245 = tpu.memref_slice %dma_start3A_241[%dma_start3A_242, %dma_start3A_243, %dma_start3A_244] : memref<200x2x128xf32, #tpu.memory_space<hbm>> -> memref<48x2x128xf32, #tpu.memory_space<hbm>>
    %dma_start3A_246 = arith.constant 104 : i32
    %dma_start3A_247 = arith.constant 0 : i32
    %dma_start3A_248 = arith.constant 0 : i32
    %dma_start3A_249 = tpu.memref_slice %arg6[%dma_start3A_246, %dma_start3A_247, %dma_start3A_248] : memref<200x2x128xf32, #tpu.memory_space<vmem>> -> memref<48x2x128xf32, #tpu.memory_space<vmem>>
    tpu.enqueue_dma source(%dma_start3A_249 : memref<48x2x128xf32, #tpu.memory_space<vmem>>) target(%dma_start3A_245 : memref<48x2x128xf32, #tpu.memory_space<hbm>>) target_semaphore(%arg10 : memref<!tpu.dma_semaphore, #tpu.memory_space<semaphore_mem>>)
    %dma_wait3A_250 = arith.constant 19 : i32
    %dma_wait3A_251 = arith.constant 0 : i32
    %dma_wait3A_252 = arith.constant 0 : i32
    %dma_wait3A_253 = tpu.memref_slice %arg5[%dma_wait3A_250, %dma_wait3A_251, %dma_wait3A_252] : memref<25x8x128xi32, #tpu.memory_space<vmem>> -> memref<6x8x128xi32, #tpu.memory_space<vmem>>
    %dma_wait3A_254 = arith.constant 0 : i32
    %dma_wait3A_255 = arith.constant 0 : i32
    %dma_wait3A_256 = tpu.memref_slice %arg2[%dma_wait3A_254, %mul3A_2, %dma_wait3A_255] : memref<25x256x128xi32, #tpu.memory_space<hbm>> -> memref<25x8x128xi32, #tpu.memory_space<hbm>>
    %dma_wait3A_257 = arith.constant 19 : i32
    %dma_wait3A_258 = arith.constant 0 : i32
    %dma_wait3A_259 = arith.constant 0 : i32
    %dma_wait3A_260 = tpu.memref_slice %dma_wait3A_256[%dma_wait3A_257, %dma_wait3A_258, %dma_wait3A_259] : memref<25x8x128xi32, #tpu.memory_space<hbm>> -> memref<6x8x128xi32, #tpu.memory_space<hbm>>
    %dma_wait3A_261 = arith.constant 19 : i32
    %dma_wait3A_262 = arith.constant 0 : i32
    %dma_wait3A_263 = arith.constant 0 : i32
    %dma_wait3A_264 = tpu.memref_slice %arg5[%dma_wait3A_261, %dma_wait3A_262, %dma_wait3A_263] : memref<25x8x128xi32, #tpu.memory_space<vmem>> -> memref<6x8x128xi32, #tpu.memory_space<vmem>>
    %dma_wait3A_265 = arith.constant 0 : i32
    %dma_wait3A_266 = arith.constant 0 : i32
    %dma_wait3A_267 = tpu.memref_slice %arg2[%dma_wait3A_265, %mul3A_2, %dma_wait3A_266] : memref<25x256x128xi32, #tpu.memory_space<hbm>> -> memref<25x8x128xi32, #tpu.memory_space<hbm>>
    %dma_wait3A_268 = arith.constant 19 : i32
    %dma_wait3A_269 = arith.constant 0 : i32
    %dma_wait3A_270 = arith.constant 0 : i32
    %dma_wait3A_271 = tpu.memref_slice %dma_wait3A_267[%dma_wait3A_268, %dma_wait3A_269, %dma_wait3A_270] : memref<25x8x128xi32, #tpu.memory_space<hbm>> -> memref<6x8x128xi32, #tpu.memory_space<hbm>>
    tpu.wait_dma2 semaphore(%arg14 : memref<!tpu.dma_semaphore, #tpu.memory_space<semaphore_mem>>) src(%dma_wait3A_271 : memref<6x8x128xi32, #tpu.memory_space<hbm>>) dst(%dma_wait3A_264 : memref<6x8x128xi32, #tpu.memory_space<vmem>>)
    %parallel_loop3A_272 = arith.constant 1216 : i32
    %parallel_loop3A_273 = arith.constant 1600 : i32
    %parallel_loop3A_274 = arith.constant 1 : i32
    scf.for %parallel_loop3A_341 = %parallel_loop3A_272 to %parallel_loop3A_273 step %parallel_loop3A_274  : i32 {
      %parallel_loop3A_342 = arith.constant 64 : i32
      %parallel_loop3A_343 = arith.divsi %parallel_loop3A_341, %parallel_loop3A_342 : i32
      %parallel_loop3A_344 = arith.constant 0 : i32
      %parallel_loop3A_345 = arith.cmpi sgt, %parallel_loop3A_341, %parallel_loop3A_344 : i32
      %parallel_loop3A_346 = arith.extui %parallel_loop3A_345 : i1 to i32
      %parallel_loop3A_347 = arith.constant 0 : i32
      %parallel_loop3A_348 = arith.cmpi slt, %parallel_loop3A_341, %parallel_loop3A_347 : i32
      %parallel_loop3A_349 = arith.extui %parallel_loop3A_348 : i1 to i32
      %parallel_loop3A_350 = arith.subi %parallel_loop3A_346, %parallel_loop3A_349 : i32
      %parallel_loop3A_351 = arith.constant 0 : i32
      %parallel_loop3A_352 = arith.cmpi sgt, %parallel_loop3A_342, %parallel_loop3A_351 : i32
      %parallel_loop3A_353 = arith.extui %parallel_loop3A_352 : i1 to i32
      %parallel_loop3A_354 = arith.constant 0 : i32
      %parallel_loop3A_355 = arith.cmpi slt, %parallel_loop3A_342, %parallel_loop3A_354 : i32
      %parallel_loop3A_356 = arith.extui %parallel_loop3A_355 : i1 to i32
      %parallel_loop3A_357 = arith.subi %parallel_loop3A_353, %parallel_loop3A_356 : i32
      %parallel_loop3A_358 = arith.cmpi ne, %parallel_loop3A_350, %parallel_loop3A_357 : i32
      %parallel_loop3A_359 = arith.remsi %parallel_loop3A_341, %parallel_loop3A_342 : i32
      %parallel_loop3A_360 = arith.constant 0 : i32
      %parallel_loop3A_361 = arith.cmpi ne, %parallel_loop3A_359, %parallel_loop3A_360 : i32
      %parallel_loop3A_362 = arith.andi %parallel_loop3A_358, %parallel_loop3A_361 : i1
      %parallel_loop3A_363 = arith.constant 1 : i32
      %parallel_loop3A_364 = arith.subi %parallel_loop3A_343, %parallel_loop3A_363 : i32
      %parallel_loop3A_365 = arith.select %parallel_loop3A_362, %parallel_loop3A_364, %parallel_loop3A_343 : i32
      %parallel_loop3A_366 = arith.constant 8 : i32
      %parallel_loop3A_367 = arith.divsi %parallel_loop3A_341, %parallel_loop3A_366 : i32
      %parallel_loop3A_368 = arith.constant 0 : i32
      %parallel_loop3A_369 = arith.cmpi sgt, %parallel_loop3A_341, %parallel_loop3A_368 : i32
      %parallel_loop3A_370 = arith.extui %parallel_loop3A_369 : i1 to i32
      %parallel_loop3A_371 = arith.constant 0 : i32
      %parallel_loop3A_372 = arith.cmpi slt, %parallel_loop3A_341, %parallel_loop3A_371 : i32
      %parallel_loop3A_373 = arith.extui %parallel_loop3A_372 : i1 to i32
      %parallel_loop3A_374 = arith.subi %parallel_loop3A_370, %parallel_loop3A_373 : i32
      %parallel_loop3A_375 = arith.constant 0 : i32
      %parallel_loop3A_376 = arith.cmpi sgt, %parallel_loop3A_366, %parallel_loop3A_375 : i32
      %parallel_loop3A_377 = arith.extui %parallel_loop3A_376 : i1 to i32
      %parallel_loop3A_378 = arith.constant 0 : i32
      %parallel_loop3A_379 = arith.cmpi slt, %parallel_loop3A_366, %parallel_loop3A_378 : i32
      %parallel_loop3A_380 = arith.extui %parallel_loop3A_379 : i1 to i32
      %parallel_loop3A_381 = arith.subi %parallel_loop3A_377, %parallel_loop3A_380 : i32
      %parallel_loop3A_382 = arith.cmpi ne, %parallel_loop3A_374, %parallel_loop3A_381 : i32
      %parallel_loop3A_383 = arith.remsi %parallel_loop3A_341, %parallel_loop3A_366 : i32
      %parallel_loop3A_384 = arith.constant 0 : i32
      %parallel_loop3A_385 = arith.cmpi ne, %parallel_loop3A_383, %parallel_loop3A_384 : i32
      %parallel_loop3A_386 = arith.andi %parallel_loop3A_382, %parallel_loop3A_385 : i1
      %parallel_loop3A_387 = arith.constant 1 : i32
      %parallel_loop3A_388 = arith.subi %parallel_loop3A_367, %parallel_loop3A_387 : i32
      %parallel_loop3A_389 = arith.select %parallel_loop3A_386, %parallel_loop3A_388, %parallel_loop3A_367 : i32
      %parallel_loop3A_390 = arith.constant 8 : i32
      %parallel_loop3A_391 = arith.constant 0 : i32
      %parallel_loop3A_392 = arith.cmpi eq, %parallel_loop3A_390, %parallel_loop3A_391 : i32
      %parallel_loop3A_393 = arith.constant 1 : i32
      %parallel_loop3A_394 = arith.select %parallel_loop3A_392, %parallel_loop3A_393, %parallel_loop3A_390 : i32
      %parallel_loop3A_395 = arith.remsi %parallel_loop3A_389, %parallel_loop3A_394 : i32
      %parallel_loop3A_396 = arith.constant 0 : i32
      %parallel_loop3A_397 = arith.cmpi ne, %parallel_loop3A_395, %parallel_loop3A_396 : i32
      %parallel_loop3A_398 = arith.constant 0 : i32
      %parallel_loop3A_399 = arith.cmpi slt, %parallel_loop3A_395, %parallel_loop3A_398 : i32
      %parallel_loop3A_400 = arith.constant 0 : i32
      %parallel_loop3A_401 = arith.cmpi slt, %parallel_loop3A_394, %parallel_loop3A_400 : i32
      %parallel_loop3A_402 = arith.xori %parallel_loop3A_399, %parallel_loop3A_401 : i1
      %parallel_loop3A_403 = arith.andi %parallel_loop3A_402, %parallel_loop3A_397 : i1
      %parallel_loop3A_404 = arith.addi %parallel_loop3A_395, %parallel_loop3A_394 : i32
      %parallel_loop3A_405 = arith.select %parallel_loop3A_403, %parallel_loop3A_404, %parallel_loop3A_395 : i32
      %parallel_loop3A_406 = arith.constant 8 : i32
      %parallel_loop3A_407 = arith.constant 0 : i32
      %parallel_loop3A_408 = arith.cmpi eq, %parallel_loop3A_406, %parallel_loop3A_407 : i32
      %parallel_loop3A_409 = arith.constant 1 : i32
      %parallel_loop3A_410 = arith.select %parallel_loop3A_408, %parallel_loop3A_409, %parallel_loop3A_406 : i32
      %parallel_loop3A_411 = arith.remsi %parallel_loop3A_341, %parallel_loop3A_410 : i32
      %parallel_loop3A_412 = arith.constant 0 : i32
      %parallel_loop3A_413 = arith.cmpi ne, %parallel_loop3A_411, %parallel_loop3A_412 : i32
      %parallel_loop3A_414 = arith.constant 0 : i32
      %parallel_loop3A_415 = arith.cmpi slt, %parallel_loop3A_411, %parallel_loop3A_414 : i32
      %parallel_loop3A_416 = arith.constant 0 : i32
      %parallel_loop3A_417 = arith.cmpi slt, %parallel_loop3A_410, %parallel_loop3A_416 : i32
      %parallel_loop3A_418 = arith.xori %parallel_loop3A_415, %parallel_loop3A_417 : i1
      %parallel_loop3A_419 = arith.andi %parallel_loop3A_418, %parallel_loop3A_413 : i1
      %parallel_loop3A_420 = arith.addi %parallel_loop3A_411, %parallel_loop3A_410 : i32
      %parallel_loop3A_421 = arith.select %parallel_loop3A_419, %parallel_loop3A_420, %parallel_loop3A_411 : i32
      %parallel_loop3A_422 = arith.constant 16 : i32
      %parallel_loop3A_423 = arith.muli %parallel_loop3A_421, %parallel_loop3A_422 : i32
      %parallel_loop3A_424 = arith.index_cast %parallel_loop3A_365 : i32 to index
      %parallel_loop3A_425 = arith.index_cast %parallel_loop3A_405 : i32 to index
      %parallel_loop3A_426 = arith.index_cast %parallel_loop3A_423 : i32 to index
      %parallel_loop3A_427 = tpu.vector_load %arg5[%parallel_loop3A_424, %parallel_loop3A_425, %parallel_loop3A_426] {strides = array<i32>} : memref<25x8x128xi32, #tpu.memory_space<vmem>>, vector<16xi32>,
      %parallel_loop3A_428 = tpu.vector_load_idx %arg8[%parallel_loop3A_427] : memref<16xf32, #tpu.memory_space<vmem>>[vector<16xi32>], vector<16xf32>,
      %parallel_loop3A_429 = tpu.vector_load_idx %arg9[%parallel_loop3A_427] : memref<16xf32, #tpu.memory_space<vmem>>[vector<16xi32>], vector<16xf32>,
      %parallel_loop3A_430 = arith.constant 8 : i32
      %parallel_loop3A_431 = arith.divsi %parallel_loop3A_341, %parallel_loop3A_430 : i32
      %parallel_loop3A_432 = arith.constant 0 : i32
      %parallel_loop3A_433 = arith.cmpi sgt, %parallel_loop3A_341, %parallel_loop3A_432 : i32
      %parallel_loop3A_434 = arith.extui %parallel_loop3A_433 : i1 to i32
      %parallel_loop3A_435 = arith.constant 0 : i32
      %parallel_loop3A_436 = arith.cmpi slt, %parallel_loop3A_341, %parallel_loop3A_435 : i32
      %parallel_loop3A_437 = arith.extui %parallel_loop3A_436 : i1 to i32
      %parallel_loop3A_438 = arith.subi %parallel_loop3A_434, %parallel_loop3A_437 : i32
      %parallel_loop3A_439 = arith.constant 0 : i32
      %parallel_loop3A_440 = arith.cmpi sgt, %parallel_loop3A_430, %parallel_loop3A_439 : i32
      %parallel_loop3A_441 = arith.extui %parallel_loop3A_440 : i1 to i32
      %parallel_loop3A_442 = arith.constant 0 : i32
      %parallel_loop3A_443 = arith.cmpi slt, %parallel_loop3A_430, %parallel_loop3A_442 : i32
      %parallel_loop3A_444 = arith.extui %parallel_loop3A_443 : i1 to i32
      %parallel_loop3A_445 = arith.subi %parallel_loop3A_441, %parallel_loop3A_444 : i32
      %parallel_loop3A_446 = arith.cmpi ne, %parallel_loop3A_438, %parallel_loop3A_445 : i32
      %parallel_loop3A_447 = arith.remsi %parallel_loop3A_341, %parallel_loop3A_430 : i32
      %parallel_loop3A_448 = arith.constant 0 : i32
      %parallel_loop3A_449 = arith.cmpi ne, %parallel_loop3A_447, %parallel_loop3A_448 : i32
      %parallel_loop3A_450 = arith.andi %parallel_loop3A_446, %parallel_loop3A_449 : i1
      %parallel_loop3A_451 = arith.constant 1 : i32
      %parallel_loop3A_452 = arith.subi %parallel_loop3A_431, %parallel_loop3A_451 : i32
      %parallel_loop3A_453 = arith.select %parallel_loop3A_450, %parallel_loop3A_452, %parallel_loop3A_431 : i32
      %parallel_loop3A_454 = arith.constant 8 : i32
      %parallel_loop3A_455 = arith.constant 0 : i32
      %parallel_loop3A_456 = arith.cmpi eq, %parallel_loop3A_454, %parallel_loop3A_455 : i32
      %parallel_loop3A_457 = arith.constant 1 : i32
      %parallel_loop3A_458 = arith.select %parallel_loop3A_456, %parallel_loop3A_457, %parallel_loop3A_454 : i32
      %parallel_loop3A_459 = arith.remsi %parallel_loop3A_341, %parallel_loop3A_458 : i32
      %parallel_loop3A_460 = arith.constant 0 : i32
      %parallel_loop3A_461 = arith.cmpi ne, %parallel_loop3A_459, %parallel_loop3A_460 : i32
      %parallel_loop3A_462 = arith.constant 0 : i32
      %parallel_loop3A_463 = arith.cmpi slt, %parallel_loop3A_459, %parallel_loop3A_462 : i32
      %parallel_loop3A_464 = arith.constant 0 : i32
      %parallel_loop3A_465 = arith.cmpi slt, %parallel_loop3A_458, %parallel_loop3A_464 : i32
      %parallel_loop3A_466 = arith.xori %parallel_loop3A_463, %parallel_loop3A_465 : i1
      %parallel_loop3A_467 = arith.andi %parallel_loop3A_466, %parallel_loop3A_461 : i1
      %parallel_loop3A_468 = arith.addi %parallel_loop3A_459, %parallel_loop3A_458 : i32
      %parallel_loop3A_469 = arith.select %parallel_loop3A_467, %parallel_loop3A_468, %parallel_loop3A_459 : i32
      %parallel_loop3A_470 = arith.constant 16 : i32
      %parallel_loop3A_471 = arith.muli %parallel_loop3A_469, %parallel_loop3A_470 : i32
      %parallel_loop3A_472 = arith.constant 0 : i32
      %parallel_loop3A_473 = arith.index_cast %parallel_loop3A_453 : i32 to index
      %parallel_loop3A_474 = arith.index_cast %parallel_loop3A_472 : i32 to index
      %parallel_loop3A_475 = arith.index_cast %parallel_loop3A_471 : i32 to index
      %parallel_loop3A_476 = tpu.vector_load %arg6[%parallel_loop3A_473, %parallel_loop3A_474, %parallel_loop3A_475] {strides = array<i32>} : memref<200x2x128xf32, #tpu.memory_space<vmem>>, vector<16xf32>,
      tpu.vector_store %arg6[%parallel_loop3A_473, %parallel_loop3A_474, %parallel_loop3A_475], %parallel_loop3A_428 {strides = array<i32>} : memref<200x2x128xf32, #tpu.memory_space<vmem>>, vector<16xf32>,
      %parallel_loop3A_477 = arith.constant 1 : i32
      %parallel_loop3A_478 = arith.index_cast %parallel_loop3A_453 : i32 to index
      %parallel_loop3A_479 = arith.index_cast %parallel_loop3A_477 : i32 to index
      %parallel_loop3A_480 = arith.index_cast %parallel_loop3A_471 : i32 to index
      %parallel_loop3A_481 = tpu.vector_load %arg6[%parallel_loop3A_478, %parallel_loop3A_479, %parallel_loop3A_480] {strides = array<i32>} : memref<200x2x128xf32, #tpu.memory_space<vmem>>, vector<16xf32>,
      tpu.vector_store %arg6[%parallel_loop3A_478, %parallel_loop3A_479, %parallel_loop3A_480], %parallel_loop3A_429 {strides = array<i32>} : memref<200x2x128xf32, #tpu.memory_space<vmem>>, vector<16xf32>,
    } {sc.loop_unroll_factor = 8 : i64, sc.parallel_access}
    "tpu.region"() ({
      %run_scoped3A = tpu.sem_alloc : memref<!tpu.dma_semaphore, #tpu.memory_space<semaphore_mem>>
      %dma_start3A_341 = arith.constant 152 : i32
      %dma_start3A_342 = arith.constant 0 : i32
      %dma_start3A_343 = arith.constant 0 : i32
      %dma_start3A_344 = tpu.memref_slice %arg6[%dma_start3A_341, %dma_start3A_342, %dma_start3A_343] : memref<200x2x128xf32, #tpu.memory_space<vmem>> -> memref<48x2x128xf32, #tpu.memory_space<vmem>>
      %dma_start3A_345 = arith.constant 0 : i32
      %dma_start3A_346 = arith.constant 0 : i32
      %dma_start3A_347 = tpu.memref_slice %arg4[%dma_start3A_345, %mul3A_110, %dma_start3A_346] : memref<200x64x128xf32, #tpu.memory_space<hbm>> -> memref<200x2x128xf32, #tpu.memory_space<hbm>>
      %dma_start3A_348 = arith.constant 152 : i32
      %dma_start3A_349 = arith.constant 0 : i32
      %dma_start3A_350 = arith.constant 0 : i32
      %dma_start3A_351 = tpu.memref_slice %dma_start3A_347[%dma_start3A_348, %dma_start3A_349, %dma_start3A_350] : memref<200x2x128xf32, #tpu.memory_space<hbm>> -> memref<48x2x128xf32, #tpu.memory_space<hbm>>
      %dma_start3A_352 = arith.constant 0 : i32
      %dma_start3A_353 = arith.constant 0 : i32
      %dma_start3A_354 = tpu.memref_slice %arg4[%dma_start3A_352, %mul3A_110, %dma_start3A_353] : memref<200x64x128xf32, #tpu.memory_space<hbm>> -> memref<200x2x128xf32, #tpu.memory_space<hbm>>
      %dma_start3A_355 = arith.constant 152 : i32
      %dma_start3A_356 = arith.constant 0 : i32
      %dma_start3A_357 = arith.constant 0 : i32
      %dma_start3A_358 = tpu.memref_slice %dma_start3A_354[%dma_start3A_355, %dma_start3A_356, %dma_start3A_357] : memref<200x2x128xf32, #tpu.memory_space<hbm>> -> memref<48x2x128xf32, #tpu.memory_space<hbm>>
      %dma_start3A_359 = arith.constant 152 : i32
      %dma_start3A_360 = arith.constant 0 : i32
      %dma_start3A_361 = arith.constant 0 : i32
      %dma_start3A_362 = tpu.memref_slice %arg6[%dma_start3A_359, %dma_start3A_360, %dma_start3A_361] : memref<200x2x128xf32, #tpu.memory_space<vmem>> -> memref<48x2x128xf32, #tpu.memory_space<vmem>>
      tpu.enqueue_dma source(%dma_start3A_362 : memref<48x2x128xf32, #tpu.memory_space<vmem>>) target(%dma_start3A_358 : memref<48x2x128xf32, #tpu.memory_space<hbm>>) target_semaphore(%run_scoped3A : memref<!tpu.dma_semaphore, #tpu.memory_space<semaphore_mem>>)
      %dma_wait3A_363 = arith.constant 152 : i32
      %dma_wait3A_364 = arith.constant 0 : i32
      %dma_wait3A_365 = arith.constant 0 : i32
      %dma_wait3A_366 = tpu.memref_slice %arg6[%dma_wait3A_363, %dma_wait3A_364, %dma_wait3A_365] : memref<200x2x128xf32, #tpu.memory_space<vmem>> -> memref<48x2x128xf32, #tpu.memory_space<vmem>>
      %dma_wait3A_367 = arith.constant 0 : i32
      %dma_wait3A_368 = arith.constant 0 : i32
      %dma_wait3A_369 = tpu.memref_slice %arg4[%dma_wait3A_367, %mul3A_110, %dma_wait3A_368] : memref<200x64x128xf32, #tpu.memory_space<hbm>> -> memref<200x2x128xf32, #tpu.memory_space<hbm>>
      %dma_wait3A_370 = arith.constant 152 : i32
      %dma_wait3A_371 = arith.constant 0 : i32
      %dma_wait3A_372 = arith.constant 0 : i32
      %dma_wait3A_373 = tpu.memref_slice %dma_wait3A_369[%dma_wait3A_370, %dma_wait3A_371, %dma_wait3A_372] : memref<200x2x128xf32, #tpu.memory_space<hbm>> -> memref<48x2x128xf32, #tpu.memory_space<hbm>>
      %dma_wait3A_374 = arith.constant 0 : i32
      %dma_wait3A_375 = arith.constant 0 : i32
      %dma_wait3A_376 = tpu.memref_slice %arg4[%dma_wait3A_374, %mul3A_110, %dma_wait3A_375] : memref<200x64x128xf32, #tpu.memory_space<hbm>> -> memref<200x2x128xf32, #tpu.memory_space<hbm>>
      %dma_wait3A_377 = arith.constant 152 : i32
      %dma_wait3A_378 = arith.constant 0 : i32
      %dma_wait3A_379 = arith.constant 0 : i32
      %dma_wait3A_380 = tpu.memref_slice %dma_wait3A_376[%dma_wait3A_377, %dma_wait3A_378, %dma_wait3A_379] : memref<200x2x128xf32, #tpu.memory_space<hbm>> -> memref<48x2x128xf32, #tpu.memory_space<hbm>>
      %dma_wait3A_381 = arith.constant 152 : i32
      %dma_wait3A_382 = arith.constant 0 : i32
      %dma_wait3A_383 = arith.constant 0 : i32
      %dma_wait3A_384 = tpu.memref_slice %arg6[%dma_wait3A_381, %dma_wait3A_382, %dma_wait3A_383] : memref<200x2x128xf32, #tpu.memory_space<vmem>> -> memref<48x2x128xf32, #tpu.memory_space<vmem>>
      tpu.wait_dma2 semaphore(%run_scoped3A : memref<!tpu.dma_semaphore, #tpu.memory_space<semaphore_mem>>) src(%dma_wait3A_384 : memref<48x2x128xf32, #tpu.memory_space<vmem>>) dst(%dma_wait3A_380 : memref<48x2x128xf32, #tpu.memory_space<hbm>>)
      tpu.yield
    }) : () -> ()
    %dma_wait3A_275 = arith.constant 0 : i32
    %dma_wait3A_276 = arith.constant 0 : i32
    %dma_wait3A_277 = arith.constant 0 : i32
    %dma_wait3A_278 = tpu.memref_slice %arg6[%dma_wait3A_275, %dma_wait3A_276, %dma_wait3A_277] : memref<200x2x128xf32, #tpu.memory_space<vmem>> -> memref<56x2x128xf32, #tpu.memory_space<vmem>>
    %dma_wait3A_279 = arith.constant 0 : i32
    %dma_wait3A_280 = arith.constant 0 : i32
    %dma_wait3A_281 = tpu.memref_slice %arg4[%dma_wait3A_279, %mul3A_110, %dma_wait3A_280] : memref<200x64x128xf32, #tpu.memory_space<hbm>> -> memref<200x2x128xf32, #tpu.memory_space<hbm>>
    %dma_wait3A_282 = arith.constant 0 : i32
    %dma_wait3A_283 = arith.constant 0 : i32
    %dma_wait3A_284 = arith.constant 0 : i32
    %dma_wait3A_285 = tpu.memref_slice %dma_wait3A_281[%dma_wait3A_282, %dma_wait3A_283, %dma_wait3A_284] : memref<200x2x128xf32, #tpu.memory_space<hbm>> -> memref<56x2x128xf32, #tpu.memory_space<hbm>>
    %dma_wait3A_286 = arith.constant 0 : i32
    %dma_wait3A_287 = arith.constant 0 : i32
    %dma_wait3A_288 = tpu.memref_slice %arg4[%dma_wait3A_286, %mul3A_110, %dma_wait3A_287] : memref<200x64x128xf32, #tpu.memory_space<hbm>> -> memref<200x2x128xf32, #tpu.memory_space<hbm>>
    %dma_wait3A_289 = arith.constant 0 : i32
    %dma_wait3A_290 = arith.constant 0 : i32
    %dma_wait3A_291 = arith.constant 0 : i32
    %dma_wait3A_292 = tpu.memref_slice %dma_wait3A_288[%dma_wait3A_289, %dma_wait3A_290, %dma_wait3A_291] : memref<200x2x128xf32, #tpu.memory_space<hbm>> -> memref<56x2x128xf32, #tpu.memory_space<hbm>>
    %dma_wait3A_293 = arith.constant 0 : i32
    %dma_wait3A_294 = arith.constant 0 : i32
    %dma_wait3A_295 = arith.constant 0 : i32
    %dma_wait3A_296 = tpu.memref_slice %arg6[%dma_wait3A_293, %dma_wait3A_294, %dma_wait3A_295] : memref<200x2x128xf32, #tpu.memory_space<vmem>> -> memref<56x2x128xf32, #tpu.memory_space<vmem>>
    tpu.wait_dma2 semaphore(%arg10 : memref<!tpu.dma_semaphore, #tpu.memory_space<semaphore_mem>>) src(%dma_wait3A_296 : memref<56x2x128xf32, #tpu.memory_space<vmem>>) dst(%dma_wait3A_292 : memref<56x2x128xf32, #tpu.memory_space<hbm>>)
    %dma_wait3A_297 = arith.constant 56 : i32
    %dma_wait3A_298 = arith.constant 0 : i32
    %dma_wait3A_299 = arith.constant 0 : i32
    %dma_wait3A_300 = tpu.memref_slice %arg6[%dma_wait3A_297, %dma_wait3A_298, %dma_wait3A_299] : memref<200x2x128xf32, #tpu.memory_space<vmem>> -> memref<48x2x128xf32, #tpu.memory_space<vmem>>
    %dma_wait3A_301 = arith.constant 0 : i32
    %dma_wait3A_302 = arith.constant 0 : i32
    %dma_wait3A_303 = tpu.memref_slice %arg4[%dma_wait3A_301, %mul3A_110, %dma_wait3A_302] : memref<200x64x128xf32, #tpu.memory_space<hbm>> -> memref<200x2x128xf32, #tpu.memory_space<hbm>>
    %dma_wait3A_304 = arith.constant 56 : i32
    %dma_wait3A_305 = arith.constant 0 : i32
    %dma_wait3A_306 = arith.constant 0 : i32
    %dma_wait3A_307 = tpu.memref_slice %dma_wait3A_303[%dma_wait3A_304, %dma_wait3A_305, %dma_wait3A_306] : memref<200x2x128xf32, #tpu.memory_space<hbm>> -> memref<48x2x128xf32, #tpu.memory_space<hbm>>
    %dma_wait3A_308 = arith.constant 0 : i32
    %dma_wait3A_309 = arith.constant 0 : i32
    %dma_wait3A_310 = tpu.memref_slice %arg4[%dma_wait3A_308, %mul3A_110, %dma_wait3A_309] : memref<200x64x128xf32, #tpu.memory_space<hbm>> -> memref<200x2x128xf32, #tpu.memory_space<hbm>>
    %dma_wait3A_311 = arith.constant 56 : i32
    %dma_wait3A_312 = arith.constant 0 : i32
    %dma_wait3A_313 = arith.constant 0 : i32
    %dma_wait3A_314 = tpu.memref_slice %dma_wait3A_310[%dma_wait3A_311, %dma_wait3A_312, %dma_wait3A_313] : memref<200x2x128xf32, #tpu.memory_space<hbm>> -> memref<48x2x128xf32, #tpu.memory_space<hbm>>
    %dma_wait3A_315 = arith.constant 56 : i32
    %dma_wait3A_316 = arith.constant 0 : i32
    %dma_wait3A_317 = arith.constant 0 : i32
    %dma_wait3A_318 = tpu.memref_slice %arg6[%dma_wait3A_315, %dma_wait3A_316, %dma_wait3A_317] : memref<200x2x128xf32, #tpu.memory_space<vmem>> -> memref<48x2x128xf32, #tpu.memory_space<vmem>>
    tpu.wait_dma2 semaphore(%arg10 : memref<!tpu.dma_semaphore, #tpu.memory_space<semaphore_mem>>) src(%dma_wait3A_318 : memref<48x2x128xf32, #tpu.memory_space<vmem>>) dst(%dma_wait3A_314 : memref<48x2x128xf32, #tpu.memory_space<hbm>>)
    %dma_wait3A_319 = arith.constant 104 : i32
    %dma_wait3A_320 = arith.constant 0 : i32
    %dma_wait3A_321 = arith.constant 0 : i32
    %dma_wait3A_322 = tpu.memref_slice %arg6[%dma_wait3A_319, %dma_wait3A_320, %dma_wait3A_321] : memref<200x2x128xf32, #tpu.memory_space<vmem>> -> memref<48x2x128xf32, #tpu.memory_space<vmem>>
    %dma_wait3A_323 = arith.constant 0 : i32
    %dma_wait3A_324 = arith.constant 0 : i32
    %dma_wait3A_325 = tpu.memref_slice %arg4[%dma_wait3A_323, %mul3A_110, %dma_wait3A_324] : memref<200x64x128xf32, #tpu.memory_space<hbm>> -> memref<200x2x128xf32, #tpu.memory_space<hbm>>
    %dma_wait3A_326 = arith.constant 104 : i32
    %dma_wait3A_327 = arith.constant 0 : i32
    %dma_wait3A_328 = arith.constant 0 : i32
    %dma_wait3A_329 = tpu.memref_slice %dma_wait3A_325[%dma_wait3A_326, %dma_wait3A_327, %dma_wait3A_328] : memref<200x2x128xf32, #tpu.memory_space<hbm>> -> memref<48x2x128xf32, #tpu.memory_space<hbm>>
    %dma_wait3A_330 = arith.constant 0 : i32
    %dma_wait3A_331 = arith.constant 0 : i32
    %dma_wait3A_332 = tpu.memref_slice %arg4[%dma_wait3A_330, %mul3A_110, %dma_wait3A_331] : memref<200x64x128xf32, #tpu.memory_space<hbm>> -> memref<200x2x128xf32, #tpu.memory_space<hbm>>
    %dma_wait3A_333 = arith.constant 104 : i32
    %dma_wait3A_334 = arith.constant 0 : i32
    %dma_wait3A_335 = arith.constant 0 : i32
    %dma_wait3A_336 = tpu.memref_slice %dma_wait3A_332[%dma_wait3A_333, %dma_wait3A_334, %dma_wait3A_335] : memref<200x2x128xf32, #tpu.memory_space<hbm>> -> memref<48x2x128xf32, #tpu.memory_space<hbm>>
    %dma_wait3A_337 = arith.constant 104 : i32
    %dma_wait3A_338 = arith.constant 0 : i32
    %dma_wait3A_339 = arith.constant 0 : i32
    %dma_wait3A_340 = tpu.memref_slice %arg6[%dma_wait3A_337, %dma_wait3A_338, %dma_wait3A_339] : memref<200x2x128xf32, #tpu.memory_space<vmem>> -> memref<48x2x128xf32, #tpu.memory_space<vmem>>
    tpu.wait_dma2 semaphore(%arg10 : memref<!tpu.dma_semaphore, #tpu.memory_space<semaphore_mem>>) src(%dma_wait3A_340 : memref<48x2x128xf32, #tpu.memory_space<vmem>>) dst(%dma_wait3A_336 : memref<48x2x128xf32, #tpu.memory_space<hbm>>)
    return
  }
}

</mosaic_0001>

<sc_bundles>
// kernel: kernel.3.cloned.1.call-start
scs
__scs_entry_jumppad:
0x0: {  	(pc) =	sbr.rel $0x88, $3  }
0x1: {  	(tag) =	ssettag $0x0;
	lr =	simm.s32 $0x1  }
0x2: {  	[smem:$0x3F9D] =	sst lr;
	_ =	strace $0xD0000000  }
0x3: {  	_ = 	snop  }
0x4: {  	_ = 	snop  }
0x5: {  	_ = 	snop  }
0x6: {  	_ = 	snop  }
0x7: {  	_ = 	snop  }
__scs_overlays_trampoline_lowered:
0x8: {  	[smem:$0x3FAC] =	sst s0  }
0x9: {  	[smem:$0x3FAD] =	sst s1  }
0xa: {  	[smem:$0x3FAE] =	sst s2  }
0xb: {  	[smem:$0x3FAF] =	sst s3  }
0xc: {  	[smem:$0x3FB0] =	sst s4  }
0xd: {  	[smem:$0x3FB1] =	sst s5  }
0xe: {  	[smem:$0x3FB2] =	sst s6  }
0xf: {  	[smem:$0x3FB3] =	sst s7  }
0x10: {  	[smem:$0x3FB4] =	sst s8  }
0x11: {  	[smem:$0x3FB5] =	sst s9;
	s0 =	simm.s32 @!p0 $0x0  }
0x12: {  	s1 =	sld [smem:$0x3F9B];
	s0 =	simm.s32 @p0 $0x1  }
0x13: {  	[smem:$0x3FB6] =	sst s0;
	s0 =	simm.s32 @!p1 $0x0  }
0x14: {  	s2 =	sld [smem:$0x3F9A];
	s0 =	simm.s32 @p1 $0x1  }
0x15: {  	[smem:$0x3FB7] =	sst s0;
	s0 =	simm.s32 @!p2 $0x0  }
0x16: {  	s3 =	sld [smem:$0x3FDB];
	s0 =	simm.s32 @p2 $0x1  }
0x17: {  	s4 =	simm.s32 $0x1BF5;
	[smem:$0x3FB9] =	sst s0  }
0x18: {  	s0 =	sld [smem:$0x3F9C];
	_ =	swait.ge [sflag:s4], $0x0  }
0x19: {  	s7 =	sld [smem:$0x3F9D]  }
0x1a: {  	s8 =	sadd.s32 $0xFFFFE003, lr  }
0x1b: {  	s9 =	sadd.s32 $0xFFFFFEF7, lr;
	s5 =	simm.s32 $0xFFFFFFFF;
	p2 =	slt.u32 s8, $0xFFFFF086  }
0x1c: {  	p1 =	slt.u32 s9, $0xF7A;
	s5 =	simm.s32 @!p2 $0x0  }
0x1d: {  	s5 =	simm.s32 @p1 $0x1;
	p0 =	seq.s32 s7, s2  }
0x1e: {  	s7 =	smul.u32 @!p0 $0xF7A, s2;
	p2 =	seq.s32 @!p0 s5, $0x0  }
0x1f: {  	s9 =	smul.u32 $0xF7A, s1;
	s8 =	simm.s32 @!p0 $0x1BF5;
	p2 =	por !p2, p0  }
0x20: {  	[sflag:s8] =	ssyncset.s32 @!p0 $0xFFFFF086;
	s6 =	sadd.s32 @!p0 s3, s7;
	s7 =	simm.s32 @!p0 $0x108  }
0x21: {  	s3 =	sadd.s32 s3, s9;
	s6 =	sadd.s32 @!p0 $0x88, s6;
	s7 =	simm.s32 @p2 $0x1082  }
0x22: {  	[simem:s7], [sflag:s8] =	dma.local @!p0 [hbm:s6], $0xF7A  }
0x23: {  	s9 =	sor.u32 $0xD0000000, s2;
	s6 =	simm.s32 $0x108;
	_ =	swait.ge @!p0 [sflag:s8], $0x0  }
0x24: {  	s3 =	sadd.s32 $0x88, s3;
	s6 =	simm.s32 @!p1 $0x1082;
	[sflag:s4] =	ssyncset.s32 $0xFFFFF086  }
0x25: {  	[simem:s6], [sflag:s4] =	dma.local [hbm:s3], $0xF7A  }
0x26: {  	[smem:$0x3F9D] =	sst s1;
	(tag) =	ssettag s2;
	_ =	strace s9  }
0x27: {  	s1 =	sld [smem:$0x3FAD]  }
0x28: {  	s2 =	sld [smem:$0x3FAE]  }
0x29: {  	s4 =	sld [smem:$0x3FB0]  }
0x2a: {  	p0 =	seq.s32 s5, $0x0;
	s5 =	sld [smem:$0x3FB1]  }
0x2b: {  	s6 =	sld [smem:$0x3FB2]  }
0x2c: {  	s7 =	sld [smem:$0x3FB3]  }
0x2d: {  	s3 =	simm.s32 $0x108;
	s8 =	sld [smem:$0x3FB4]  }
0x2e: {  	s3 =	simm.s32 @!p0 $0x1082;
	s9 =	sld [smem:$0x3FB5]  }
0x2f: {  	lr =	sadd.s32 s0, s3;
	s0 =	sld [smem:$0x3FAC]  }
0x30: {  	s3 =	sld [smem:$0x3FAF]  }
0x31: {  	[smem:$0x3FB8] =	sst s10  }
0x32: {  	s10 =	sld [smem:$0x3FB6];
	_ =	sdelay $0x3  }
0x33: {  	p0 =	seq.s32 s10, $0x1;
	s10 =	sld [smem:$0x3FB8];
	_ =	sdelay $0x3  }
0x34: {  	[smem:$0x3FB8] =	sst s10  }
0x35: {  	s10 =	sld [smem:$0x3FB7];
	_ =	sdelay $0x3  }
0x36: {  	p1 =	seq.s32 s10, $0x1;
	s10 =	sld [smem:$0x3FB8];
	_ =	sdelay $0x3  }
0x37: {  	[smem:$0x3FB8] =	sst s10  }
0x38: {  	s10 =	sld [smem:$0x3FB9]  }
0x39: {  	_ = 	snop;
	(pc) =	sbr.ind lr, $3  }
0x3a: {  	_ = 	snop  }
0x3b: {  	_ = 	snop  }
0x3c: {  	p2 =	seq.s32 s10, $0x1;
	s10 =	sld [smem:$0x3FB8]  }
0x3d: {  	_ =	shalt  }
0x3e: {  	_ =	shalt  }
0x3f: {  	_ =	shalt  }
0x40: {  	_ =	shalt  }
0x41: {  	_ =	shalt  }
0x42: {  	_ =	shalt  }
0x43: {  	_ =	shalt  }
0x44: {  	_ =	shalt  }
0x45: {  	_ =	shalt  }
0x46: {  	_ =	shalt  }
0x47: {  	_ =	shalt  }
0x48: {  	_ =	shalt  }
0x49: {  	_ =	shalt  }
0x4a: {  	_ =	shalt  }
0x4b: {  	_ =	shalt  }
0x4c: {  	_ =	shalt  }
0x4d: {  	_ =	shalt  }
0x4e: {  	_ =	shalt  }
0x4f: {  	_ =	shalt  }
0x50: {  	_ =	shalt  }
0x51: {  	_ =	shalt  }
0x52: {  	_ =	shalt  }
0x53: {  	_ =	shalt  }
0x54: {  	_ =	shalt  }
0x55: {  	_ =	shalt  }
0x56: {  	_ =	shalt  }
0x57: {  	_ =	shalt  }
0x58: {  	_ =	shalt  }
0x59: {  	_ =	shalt  }
0x5a: {  	_ =	shalt  }
0x5b: {  	_ =	shalt  }
0x5c: {  	_ =	shalt  }
0x5d: {  	_ =	shalt  }
0x5e: {  	_ =	shalt  }
0x5f: {  	_ =	shalt  }
0x60: {  	_ =	shalt  }
0x61: {  	_ =	shalt  }
0x62: {  	_ =	shalt  }
0x63: {  	_ =	shalt  }
0x64: {  	_ =	shalt  }
0x65: {  	_ =	shalt  }
0x66: {  	_ =	shalt  }
0x67: {  	_ =	shalt  }
0x68: {  	_ =	shalt  }
0x69: {  	_ =	shalt  }
0x6a: {  	_ =	shalt  }
0x6b: {  	_ =	shalt  }
0x6c: {  	_ =	shalt  }
0x6d: {  	_ =	shalt  }
0x6e: {  	_ =	shalt  }
0x6f: {  	_ =	shalt  }
0x70: {  	_ =	shalt  }
0x71: {  	_ =	shalt  }
0x72: {  	_ =	shalt  }
0x73: {  	_ =	shalt  }
0x74: {  	_ =	shalt  }
0x75: {  	_ =	shalt  }
0x76: {  	_ =	shalt  }
0x77: {  	_ =	shalt  }
0x78: {  	_ =	shalt  }
0x79: {  	_ =	shalt  }
0x7a: {  	_ =	shalt  }
0x7b: {  	_ =	shalt  }
0x7c: {  	_ =	shalt  }
0x7d: {  	_ =	shalt  }
0x7e: {  	_ =	shalt  }
0x7f: {  	_ =	shalt  }
0x80: {  	_ =	shalt  }
0x81: {  	_ =	shalt  }
0x82: {  	_ =	shalt  }
0x83: {  	_ =	shalt  }
0x84: {  	_ =	shalt  }
0x85: {  	_ =	shalt  }
0x86: {  	_ =	shalt  }
0x87: {  	_ =	shalt  }
.Lfunc_end0:
.L_simem_size_0:
called_computation_lowered:
.L_overlay_start_0:
0x88: {  	s2 =	sld [smem:$0x3FD9]  }
0x89: {  	s3 =	sld [smem:$0x3FFE];
	_ =	sdelay $0x1  }
0x8a: {  	s1 =	srdreg.scid  }
0x8b: {  	s0 =	sand.u32 $0x1, s1  }
0x8c: {  	s17 =	sshll.u32 s0, $0xA;
	s2 =	sadd.s32 s3, s2  }
0x8d: {  	s2 =	sadd.s32 s2, s17  }
0x8e: {  	[smem:$0x3FC4] =	sst s2  }
0x8f: {  	_ = 	snop  }
0x90: {  	s2 =	sld [smem:$0x3FC9]  }
0x91: {  	s18 =	sld [smem:$0x3FD0];
	(tm) =	ssettm $0x1  }
0x92: {  	s4 =	sld [smem:$0x3FFB];
	_ =	sdelay $0x3  }
0x93: {  	_ =	strace s4  }
0x94: {  	s4 =	sld [smem:$0x3FFC];
	_ =	sdelay $0x3  }
0x95: {  	_ =	strace s4  }
0x96: {  	s4 =	sld [smem:$0x3FFD];
	_ =	sdelay $0x3  }
0x97: {  	_ =	strace s4  }
0x98: {  	_ =	strace $0x8FFFFFFF  }
0x99: {  	s19 =	sld [smem:$0x3FDB];
	_ =	sdelay $0x1  }
0x9a: {  	s5 =	simm.s32 $_scs_section_size  }
0x9b: {  	s6 =	simm.s32 $_size__tile_overlayer_lowered;
	s7 =	simm.s32 $_tile_overlayer_lowered  }
0x9c: {  	s22 =	simm.s32 $0x1BFF;
	s21 =	sshll.u32 s7, $0x1;
	s4 =	sadd.s32 s5, s19  }
0x9d: {  	s8 =	simm.s32 $0x0;
	s20 =	sshll.u32 s6, $0x1;
	s6 =	sadd.s32 s21, s4  }
0x9e: {  	[timem:s8], [sflag:s22] =	dma.local [hbm:s6], s20  }
0x9f: {  	_ =	swait.ge [sflag:s22], s20  }
0xa0: {  	s5 =	ssub.s32 $0x0, s20;
	[sflag:s22] =	ssyncset.done $0x0  }
0xa1: {  	[sflag:s22] =	ssyncadd.s32 s5;
	_ =	sdelay $0x1  }
0xa2: {  	s23 =	simm.s32 $0x1B8B  }
0xa3: {  	_ =	swait.ge [sflag:s23], $0x1  }
0xa4: {  	[sflag:s23] =	ssyncset.done $0x0  }
0xa5: {  	s25 =	simm.s32 $0x1B8E;
	s24 =	sld [smem:$0x3FFE];
	[sflag:s23] =	ssyncadd.s32 $0xFFFFFFFF  }
0xa6: {  	s26 =	simm.s32 $execute0_lowered;
	[smem:$0x3FD2] =	sst s25  }
0xa7: {  	s6 =	sshll.u32 s26, $0x1;
	_ =	strace $0x80000046;
	[dreg:$0x1] =	wrdreg $0xFFFFFFFF  }
0xa8: {  	s28 =	simm.s32 $_size_execute0_lowered;
	s4 =	sadd.s32 s4, s6;
	[dreg:$0x0] =	wrdreg $0x0  }
0xa9: {  	s6 =	sshll.u32 s28, $0x1;
	[dreg:$0x2] =	wrdreg s4  }
0xaa: {  	[dreg:$0x3] =	wrdreg s6  }
0xab: {  	[dreg:$0x4] =	wrdreg $0xC0  }
0xac: {  	_ =	task [dreg:s8], $0x5FFFF  }
0xad: {  	[dreg:$0x1] =	wrdreg $0xFFFFFFFF  }
0xae: {  	[dreg:$0x0] =	wrdreg $0x60  }
0xaf: {  	[dreg:$0x2] =	wrdreg s2  }
0xb0: {  	[dreg:$0x3] =	wrdreg s24  }
0xb1: {  	[dreg:$0x4] =	wrdreg s18  }
0xb2: {  	[dreg:$0x5] =	wrdreg $0x9  }
0xb3: {  	_ =	task.clear_ibuf [dreg:s8], $0x6FFFF;
	_ =	strace $0x90000046  }
0xb4: {  	s29 =	simm.s32 $0x9;
	_ =	strace $0x80000048  }
0xb5: {  	_ =	swait.ge [sflag:s29], $0x1  }
0xb6: {  	[sflag:s29] =	ssyncadd.s32 $0xFFFFFFFF  }
0xb7: {  	_ =	strace $0x90000048  }
0xb8: {  	_ =	sfence  }
0xb9: {  	s30 =	sld [smem:$0x0];
	_ =	sdelay $0x2  }
0xba: {  	s31 =	sshll.u32 s1, $0xD;
	s1 =	sshrl.u32 s1, $0x2  }
0xbb: {  	s3 =	sand.u32 $0x4000, s31;
	s1 =	sadd.s32 s1, s30  }
0xbc: {  	s0 =	sor.u32 s3, s0;
	s1 =	sshll.u32 s1, $0x11  }
0xbd: {  	s0 =	sor.u32 s1, s0  }
0xbe: {  	s0 =	sadd.s32 $0x8F2B, s0  }
0xbf: {  	[sflag:s0] =	ssyncadd.remote.s32 $0x1  }
0xc0: {  	_ =	sfence.sel $0xFFFF  }
0xc1: {  	[dreg:$0x0] =	wrdreg $0xFFFFFFFF;
	(pc) =	sbr.abs _section_cstart, $3  }
0xc2: {  	[dreg:$0x1] =	wrdreg $0xFFFFFFFF  }
0xc3: {  	_ =	task.clear_ibuf [dreg:s8], $0x2FFFF;
	_ =	strace $0x9FFFFFFF  }
0xc4: {  	(tm) =	ssettm $0x7FFFFFFF  }
0xc5: {  	_ =	shalt  }
tec
execute0_lowered:
.L_overlay_start_1:
0x0: {  	(tag) =	ssettag $0x1  }
0x1: {  	s0 =	rddreg [dreg:$0x0]  }
0x2: {  	s1 =	rddreg [dreg:$0x1]  }
0x3: {  	s8 =	rddreg [dreg:$0x2];
	s3 =	srdreg.scid  }
0x4: {  	s4 =	stileid.u32;
	s2 =	simm.s32 $0x0;
	s10 =	simm.s32 $0x400  }
0x5: {  	s11 =	simm.s32 $0x8000;
	s16 =	simm.s32 $0x6;
	s17 =	simm.s32 $0x2  }
0x6: {  	s18 =	simm.s32 $0x12E00;
	s19 =	simm.s32 $0x12E80;
	s20 =	simm.s32 $0x100  }
0x7: {  	s21 =	simm.s32 $0x2000;
	s22 =	simm.s32 $0x6400;
	s23 =	simm.s32 $0x3  }
0x8: {  	s28 =	simm.s32 $0x5;
	s29 =	simm.s32 $0xFC00;
	s30 =	simm.s32 $0x1  }
0x9: {  	s31 =	simm.s32 $0x0;
	s3 =	sand.u32 $0x1, s3;
	s4 =	sshll.u32 s4, $0x1  }
0xa: {  	[smem:$0x7FF] =	sst s2;
	s5 =	ssub.s32 $0x2, s3;
	s7 =	sor.u32 s3, s4  }
0xb: {  	_ =	strace $0x80000047;
	s3 =	sadd.s32 $0x600, s1;
	s24 =	sshrl.u32 s5, $0x1  }
0xc: {  	s6 =	sshll.u32 s7, $0x7;
	s26 =	sshll.u32 s7, $0x5;
	s25 =	ssub.s32 s5, s24  }
0xd: {  	s4 =	sadd.s32 s0, s6;
	s8 =	sadd.s32 s8, s26;
	s24 =	simm.s32 $0x9C00  }
0xe: {  	s26 =	simm.s32 $0xCC00;
	s5 =	sadd.s32 $0x7000, s4;
	s6 =	sadd.s32 $0xD000, s4  }
0xf: {  	s7 =	sadd.s32 $0x13000, s4;
	s9 =	smax.u32 s25, $0x1;
	s25 =	simm.s32 $0x4  }
.LBB2_1:
0x10: {  	[tilespmem:s2], [sflag:$0x2] =	stream.strided.gather [hbm4b:s4+s10], $0x1C00, s11, s10, $0x38;
	[tilespmem:$0x12F00] =	vst v63  }
0x11: {  	s0 =	simm.s32 $0x1C00  }
0x12: {  	[tilespmem:s0], [sflag:$0x3] =	stream.strided.gather [hbm4b:s5+s10], $0x1800, s11, s10, $0x38;
	[tilespmem:$0x12F00] =	vst v63  }
0x13: {  	s12 =	simm.s32 $0x3400  }
0x14: {  	[tilespmem:s12], [sflag:$0x4] =	stream.strided.gather [hbm4b:s6+s10], $0x1800, s11, s10, $0x38;
	[tilespmem:$0x12F00] =	vst v63  }
0x15: {  	s13 =	simm.s32 $0x4C00  }
0x16: {  	[tilespmem:s13], [sflag:$0x5] =	stream.strided.gather [hbm4b:s7+s10], $0x1800, s11, s10, $0x38;
	[tilespmem:$0x12F00] =	vst v63  }
0x17: {  	s14 =	simm.s32 $0x12C00  }
0x18: {  	[tilespmem:s14], [sflag:$0x6] =	stream.linear.gather [hbm4b:s3+s2], $0x180, $0x38;
	[tilespmem:$0x12F00] =	vst v63  }
0x19: {  	_ =	swait.ge [sflag:s16], $0x180  }
0x1a: {  	[sflag:s16] =	ssyncset.done $0x0  }
0x1b: {  	[sflag:s16] =	ssyncadd.s32 $0xFFFFFE80  }
0x1c: {  	v0 =	vld [tilespmem:$0x12C00]  }
0x1d: {  	v1 =	vld [tilespmem:$0x12D00]  }
0x1e: {  	v2 =	vld [tilespmem:$0x12C80];
	_ =	sdelay $0x3  }
0x1f: {  	v3 =	vmul.f32 v1, v0  }
0x20: {  	v1 =	vmul.f32 v1, v2  }
0x21: {  	v3 =	vmul.f32 v3, v0  }
0x22: {  	v0 =	vmul.f32 v1, v0  }
0x23: {  	v2 =	vadd.f32 v3, v2  }
0x24: {  	[tilespmem:$0x12E80] =	vst v0  }
0x25: {  	[tilespmem:$0x12E00] =	vst v2  }
0x26: {  	s15 =	sand.u32 $0x7000, s2;
	_ =	swait.ge [sflag:s17], $0x1C00  }
0x27: {  	s1 =	sand.u32 $0x380, s2;
	s0 =	sshrl.u32 s15, $0x2;
	[sflag:s17] =	ssyncset.done $0x0  }
0x28: {  	s0 =	sor.u32 s1, s0;
	[sflag:s17] =	ssyncadd.s32 $0xFFFFE400  }
0x29: {  	v2 =	vld [tilespmem:s0+$0x70]  }
0x2a: {  	v3 =	vld [tilespmem:s0+$0x0]  }
0x2b: {  	v4 =	vld [tilespmem:s0+$0x10]  }
0x2c: {  	v5 =	vld [tilespmem:s0+$0x20]  }
0x2d: {  	v8 =	vld [tilespmem:s0+$0x30]  }
0x2e: {  	v9 =	vld [tilespmem:s0+$0x40]  }
0x2f: {  	v1 =	vld [tilespmem:s0+$0x50]  }
0x30: {  	v0 =	vld [tilespmem:s0+$0x60]  }
0x31: {  	v6 =	vld.idx.msk [tilespmem:v2+s19+$0x0], $0xffff  }
0x32: {  	v7 =	vld.idx.msk [tilespmem:v3+s18+$0x0], $0xffff  }
0x33: {  	v3 =	vld.idx.msk [tilespmem:v3+s19+$0x0], $0xffff  }
0x34: {  	v10 =	vld.idx.msk [tilespmem:v4+s18+$0x0], $0xffff  }
0x35: {  	v4 =	vld.idx.msk [tilespmem:v4+s19+$0x0], $0xffff  }
0x36: {  	s0 =	simm.s32 $0x6480;
	v11 =	vld.idx.msk [tilespmem:v2+s18+$0x0], $0xffff  }
0x37: {  	v12 =	vld.idx.msk [tilespmem:v5+s18+$0x0], $0xffff;
	[tilespmem:s0+$0x70] =	vst v6  }
0x38: {  	v2 =	vld.idx.msk [tilespmem:v9+s18+$0x0], $0xffff;
	[tilespmem:s0+$0xFFFFFF80] =	vst v7  }
0x39: {  	v7 =	vld.idx.msk [tilespmem:v5+s19+$0x0], $0xffff;
	[tilespmem:s0+$0x0] =	vst v3  }
0x3a: {  	v6 =	vld.idx.msk [tilespmem:v8+s18+$0x0], $0xffff;
	[tilespmem:s0+$0xFFFFFF90] =	vst v10  }
0x3b: {  	v3 =	vld.idx.msk [tilespmem:v8+s19+$0x0], $0xffff;
	[tilespmem:s0+$0x10] =	vst v4  }
0x3c: {  	[tilespmem:s0+$0xFFFFFFA0] =	vst v12;
	v4 =	vld.idx.msk [tilespmem:v9+s19+$0x0], $0xffff  }
0x3d: {  	s1 =	simm.s32 $0x0;
	s12 =	simm.s32 $0x200;
	s13 =	simm.s32 $0x0;
	v5 =	vld.idx.msk [tilespmem:v1+s18+$0x0], $0xffff;
	[tilespmem:s0+$0xFFFFFFF0] =	vst v11  }
.LBB2_2:
0x3e: {  	s14 =	sand.u32 $0x7000, s12;
	s1 =	sadd.s32 $0x8, s1;
	[tilespmem:s0+$0x20] =	vst v7;
	v1 =	vld.idx.msk [tilespmem:v1+s19+$0x0], $0xffff;
	s13 =	sadd.s32 $0x80, s13  }
0x3f: {  	s15 =	sand.u32 $0x380, s13;
	s14 =	sshrl.u32 s14, $0x2;
	p0 =	slt.u32 s1, $0x1B8;
	[tilespmem:s0+$0xFFFFFFB0] =	vst v6;
	v6 =	vld.idx.msk [tilespmem:v0+s18+$0x0], $0xffff  }
0x40: {  	s14 =	sor.u32 s15, s14;
	[tilespmem:s0+$0x30] =	vst v3;
	v0 =	vld.idx.msk [tilespmem:v0+s19+$0x0], $0xffff  }
0x41: {  	v3 =	vld [tilespmem:s14+$0x70];
	[tilespmem:s0+$0xFFFFFFC0] =	vst v2  }
0x42: {  	v2 =	vld [tilespmem:s14+$0x0];
	[tilespmem:s0+$0x40] =	vst v4  }
0x43: {  	v4 =	vld [tilespmem:s14+$0x10];
	[tilespmem:s0+$0xFFFFFFD0] =	vst v5  }
0x44: {  	v5 =	vld [tilespmem:s14+$0x20];
	[tilespmem:s0+$0x50] =	vst v1  }
0x45: {  	v8 =	vld [tilespmem:s14+$0x30];
	[tilespmem:s0+$0xFFFFFFE0] =	vst v6  }
0x46: {  	v9 =	vld [tilespmem:s14+$0x40];
	[tilespmem:s0+$0x60] =	vst v0  }
0x47: {  	v1 =	vld [tilespmem:s14+$0x50]  }
0x48: {  	v0 =	vld [tilespmem:s14+$0x60]  }
0x49: {  	v6 =	vld.idx.msk [tilespmem:v3+s19+$0x0], $0xffff  }
0x4a: {  	v7 =	vld.idx.msk [tilespmem:v2+s18+$0x0], $0xffff  }
0x4b: {  	v2 =	vld.idx.msk [tilespmem:v2+s19+$0x0], $0xffff  }
0x4c: {  	v10 =	vld.idx.msk [tilespmem:v4+s18+$0x0], $0xffff  }
0x4d: {  	v4 =	vld.idx.msk [tilespmem:v4+s19+$0x0], $0xffff  }
0x4e: {  	s0 =	sadd.s32 $0x100, s0;
	v11 =	vld.idx.msk [tilespmem:v5+s18+$0x0], $0xffff  }
0x4f: {  	v12 =	vld.idx.msk [tilespmem:v3+s18+$0x0], $0xffff;
	[tilespmem:s0+$0x70] =	vst v6  }
0x50: {  	[tilespmem:s0+$0xFFFFFF80] =	vst v7;
	v7 =	vld.idx.msk [tilespmem:v5+s19+$0x0], $0xffff  }
.Ltmp0:
0x51: {  	[tilespmem:s0+$0x0] =	vst v2;
	v6 =	vld.idx.msk [tilespmem:v8+s18+$0x0], $0xffff;
	(pc) =	sbr.rel @p0 .LBB2_2-.Ltmp0, $4  }
0x52: {  	[tilespmem:s0+$0xFFFFFF90] =	vst v10;
	v3 =	vld.idx.msk [tilespmem:v8+s19+$0x0], $0xffff  }
0x53: {  	[tilespmem:s0+$0x10] =	vst v4;
	v2 =	vld.idx.msk [tilespmem:v9+s18+$0x0], $0xffff  }
0x54: {  	[tilespmem:s0+$0xFFFFFFA0] =	vst v11;
	v4 =	vld.idx.msk [tilespmem:v9+s19+$0x0], $0xffff  }
0x55: {  	s12 =	sadd.s32 $0x200, s12;
	v5 =	vld.idx.msk [tilespmem:v1+s18+$0x0], $0xffff;
	[tilespmem:s0+$0xFFFFFFF0] =	vst v12  }
0x56: {  	_ =	sdelay $0x2  }
0x57: {  	[tilespmem:s0+$0x20] =	vst v7  }
0x58: {  	v1 =	vld.idx.msk [tilespmem:v1+s19+$0x0], $0xffff;
	[tilespmem:s0+$0xFFFFFFB0] =	vst v6  }
0x59: {  	v6 =	vld.idx.msk [tilespmem:v0+s18+$0x0], $0xffff;
	[tilespmem:s0+$0x30] =	vst v3  }
0x5a: {  	v0 =	vld.idx.msk [tilespmem:v0+s19+$0x0], $0xffff;
	[tilespmem:s0+$0xFFFFFFC0] =	vst v2  }
0x5b: {  	[tilespmem:s0+$0x40] =	vst v4  }
0x5c: {  	[tilespmem:s0+$0xFFFFFFD0] =	vst v5  }
0x5d: {  	[tilespmem:s0+$0x50] =	vst v1  }
0x5e: {  	[tilespmem:s0+$0xFFFFFFE0] =	vst v6  }
0x5f: {  	s1 =	simm.s32 $0x7000;
	[tilespmem:s0+$0x60] =	vst v0  }
0x60: {  	[hbm4b:s8+s20] =	stream.strided.scatter [tilespmem:s22], [sflag:$0x1], $0x3800, s21, s20, $0x38;
	[tilespmem:$0x12F00] =	vst v63  }
0x61: {  	s1 =	sand.u32 $0xF000, s1;
	s0 =	simm.s32 $0x1C00;
	_ =	swait.ge [sflag:s23], $0x1800  }
0x62: {  	s1 =	sshrl.u32 s1, $0x2;
	s12 =	sand.u32 $0x380, s0;
	[sflag:s23] =	ssyncset.done $0x0  }
0x63: {  	s1 =	sor.u32 s12, s1;
	[sflag:s23] =	ssyncadd.s32 $0xFFFFE800  }
0x64: {  	v2 =	vld [tilespmem:s1+$0x70]  }
0x65: {  	v3 =	vld [tilespmem:s1+$0x0]  }
0x66: {  	v4 =	vld [tilespmem:s1+$0x10]  }
0x67: {  	v5 =	vld [tilespmem:s1+$0x20]  }
0x68: {  	v8 =	vld [tilespmem:s1+$0x30]  }
0x69: {  	v9 =	vld [tilespmem:s1+$0x40]  }
0x6a: {  	v1 =	vld [tilespmem:s1+$0x50]  }
0x6b: {  	v0 =	vld [tilespmem:s1+$0x60]  }
0x6c: {  	v6 =	vld.idx.msk [tilespmem:v2+s19+$0x0], $0xffff  }
0x6d: {  	v7 =	vld.idx.msk [tilespmem:v3+s18+$0x0], $0xffff  }
0x6e: {  	v3 =	vld.idx.msk [tilespmem:v3+s19+$0x0], $0xffff  }
0x6f: {  	v10 =	vld.idx.msk [tilespmem:v4+s18+$0x0], $0xffff  }
0x70: {  	v4 =	vld.idx.msk [tilespmem:v4+s19+$0x0], $0xffff  }
0x71: {  	s1 =	simm.s32 $0x9CF0;
	v11 =	vld.idx.msk [tilespmem:v2+s18+$0x0], $0xffff  }
0x72: {  	v12 =	vld.idx.msk [tilespmem:v5+s18+$0x0], $0xffff;
	[tilespmem:s1+$0x0] =	vst v6  }
0x73: {  	v2 =	vld.idx.msk [tilespmem:v9+s18+$0x0], $0xffff;
	[tilespmem:s1+$0xFFFFFF10] =	vst v7  }
0x74: {  	v7 =	vld.idx.msk [tilespmem:v5+s19+$0x0], $0xffff;
	[tilespmem:s1+$0xFFFFFF90] =	vst v3  }
0x75: {  	v6 =	vld.idx.msk [tilespmem:v8+s18+$0x0], $0xffff;
	[tilespmem:s1+$0xFFFFFF20] =	vst v10  }
0x76: {  	v3 =	vld.idx.msk [tilespmem:v8+s19+$0x0], $0xffff;
	[tilespmem:s1+$0xFFFFFFA0] =	vst v4  }
0x77: {  	[tilespmem:s1+$0xFFFFFF30] =	vst v12;
	v4 =	vld.idx.msk [tilespmem:v9+s19+$0x0], $0xffff  }
0x78: {  	s13 =	simm.s32 $0x7200;
	s12 =	simm.s32 $0x1C0;
	v5 =	vld.idx.msk [tilespmem:v1+s18+$0x0], $0xffff;
	[tilespmem:s1+$0xFFFFFF80] =	vst v11  }
.LBB2_4:
0x79: {  	s14 =	sand.u32 $0xF000, s13;
	s12 =	sadd.s32 $0x8, s12;
	[tilespmem:s1+$0xFFFFFFB0] =	vst v7;
	v1 =	vld.idx.msk [tilespmem:v1+s19+$0x0], $0xffff;
	s0 =	sadd.s32 $0x80, s0  }
0x7a: {  	s15 =	sand.u32 $0x380, s0;
	s14 =	sshrl.u32 s14, $0x2;
	p0 =	slt.u32 s12, $0x338;
	[tilespmem:s1+$0xFFFFFF40] =	vst v6;
	v6 =	vld.idx.msk [tilespmem:v0+s18+$0x0], $0xffff  }
0x7b: {  	s14 =	sor.u32 s15, s14;
	[tilespmem:s1+$0xFFFFFFC0] =	vst v3;
	v0 =	vld.idx.msk [tilespmem:v0+s19+$0x0], $0xffff  }
0x7c: {  	v3 =	vld [tilespmem:s14+$0x70];
	[tilespmem:s1+$0xFFFFFF50] =	vst v2  }
0x7d: {  	v2 =	vld [tilespmem:s14+$0x0];
	[tilespmem:s1+$0xFFFFFFD0] =	vst v4  }
0x7e: {  	v4 =	vld [tilespmem:s14+$0x10];
	[tilespmem:s1+$0xFFFFFF60] =	vst v5  }
0x7f: {  	v5 =	vld [tilespmem:s14+$0x20];
	[tilespmem:s1+$0xFFFFFFE0] =	vst v1  }
0x80: {  	v8 =	vld [tilespmem:s14+$0x30];
	[tilespmem:s1+$0xFFFFFF70] =	vst v6  }
0x81: {  	v9 =	vld [tilespmem:s14+$0x40];
	[tilespmem:s1+$0xFFFFFFF0] =	vst v0  }
0x82: {  	v1 =	vld [tilespmem:s14+$0x50]  }
0x83: {  	v0 =	vld [tilespmem:s14+$0x60]  }
0x84: {  	v6 =	vld.idx.msk [tilespmem:v3+s19+$0x0], $0xffff  }
0x85: {  	v7 =	vld.idx.msk [tilespmem:v2+s18+$0x0], $0xffff  }
0x86: {  	v2 =	vld.idx.msk [tilespmem:v2+s19+$0x0], $0xffff  }
0x87: {  	v10 =	vld.idx.msk [tilespmem:v4+s18+$0x0], $0xffff  }
0x88: {  	v4 =	vld.idx.msk [tilespmem:v4+s19+$0x0], $0xffff  }
0x89: {  	s1 =	sadd.s32 $0x100, s1;
	v11 =	vld.idx.msk [tilespmem:v5+s18+$0x0], $0xffff  }
0x8a: {  	v12 =	vld.idx.msk [tilespmem:v3+s18+$0x0], $0xffff;
	[tilespmem:s1+$0x0] =	vst v6  }
0x8b: {  	[tilespmem:s1+$0xFFFFFF10] =	vst v7;
	v7 =	vld.idx.msk [tilespmem:v5+s19+$0x0], $0xffff  }
.Ltmp1:
0x8c: {  	[tilespmem:s1+$0xFFFFFF90] =	vst v2;
	v6 =	vld.idx.msk [tilespmem:v8+s18+$0x0], $0xffff;
	(pc) =	sbr.rel @p0 .LBB2_4-.Ltmp1, $4  }
0x8d: {  	[tilespmem:s1+$0xFFFFFF20] =	vst v10;
	v3 =	vld.idx.msk [tilespmem:v8+s19+$0x0], $0xffff  }
0x8e: {  	[tilespmem:s1+$0xFFFFFFA0] =	vst v4;
	v2 =	vld.idx.msk [tilespmem:v9+s18+$0x0], $0xffff  }
0x8f: {  	[tilespmem:s1+$0xFFFFFF30] =	vst v11;
	v4 =	vld.idx.msk [tilespmem:v9+s19+$0x0], $0xffff  }
0x90: {  	s13 =	sadd.s32 $0x200, s13;
	v5 =	vld.idx.msk [tilespmem:v1+s18+$0x0], $0xffff;
	[tilespmem:s1+$0xFFFFFF80] =	vst v12  }
0x91: {  	_ =	sdelay $0x2  }
0x92: {  	[tilespmem:s1+$0xFFFFFFB0] =	vst v7  }
0x93: {  	v1 =	vld.idx.msk [tilespmem:v1+s19+$0x0], $0xffff;
	[tilespmem:s1+$0xFFFFFF40] =	vst v6  }
0x94: {  	v6 =	vld.idx.msk [tilespmem:v0+s18+$0x0], $0xffff;
	[tilespmem:s1+$0xFFFFFFC0] =	vst v3  }
0x95: {  	v0 =	vld.idx.msk [tilespmem:v0+s19+$0x0], $0xffff;
	[tilespmem:s1+$0xFFFFFF50] =	vst v2  }
0x96: {  	[tilespmem:s1+$0xFFFFFFD0] =	vst v4  }
0x97: {  	[tilespmem:s1+$0xFFFFFF60] =	vst v5  }
0x98: {  	[tilespmem:s1+$0xFFFFFFE0] =	vst v1  }
0x99: {  	[tilespmem:s1+$0xFFFFFF70] =	vst v6  }
0x9a: {  	s0 =	sadd.s32 $0xE000, s8;
	s15 =	simm.s32 $0xD000;
	[tilespmem:s1+$0xFFFFFFF0] =	vst v0  }
0x9b: {  	[hbm4b:s0+s20] =	stream.strided.scatter [tilespmem:s24], [sflag:$0x1], $0x3000, s21, s20, $0x38;
	[tilespmem:$0x12F00] =	vst v63  }
0x9c: {  	s1 =	sand.u32 $0x1F000, s15;
	s0 =	simm.s32 $0x3400;
	_ =	swait.ge [sflag:s25], $0x1800  }
0x9d: {  	s1 =	sshrl.u32 s1, $0x2;
	s12 =	sand.u32 $0x380, s0;
	[sflag:s25] =	ssyncset.done $0x0  }
0x9e: {  	s1 =	sor.u32 s12, s1;
	[sflag:s25] =	ssyncadd.s32 $0xFFFFE800  }
0x9f: {  	v2 =	vld [tilespmem:s1+$0x70]  }
0xa0: {  	v3 =	vld [tilespmem:s1+$0x0]  }
0xa1: {  	v4 =	vld [tilespmem:s1+$0x10]  }
0xa2: {  	v5 =	vld [tilespmem:s1+$0x20]  }
0xa3: {  	v8 =	vld [tilespmem:s1+$0x30]  }
0xa4: {  	v9 =	vld [tilespmem:s1+$0x40]  }
0xa5: {  	v1 =	vld [tilespmem:s1+$0x50]  }
0xa6: {  	v0 =	vld [tilespmem:s1+$0x60]  }
0xa7: {  	v6 =	vld.idx.msk [tilespmem:v2+s19+$0x0], $0xffff  }
0xa8: {  	v7 =	vld.idx.msk [tilespmem:v3+s18+$0x0], $0xffff  }
0xa9: {  	v3 =	vld.idx.msk [tilespmem:v3+s19+$0x0], $0xffff  }
0xaa: {  	v10 =	vld.idx.msk [tilespmem:v4+s18+$0x0], $0xffff  }
0xab: {  	v4 =	vld.idx.msk [tilespmem:v4+s19+$0x0], $0xffff  }
0xac: {  	s1 =	simm.s32 $0xCC00;
	v11 =	vld.idx.msk [tilespmem:v2+s18+$0x0], $0xffff  }
0xad: {  	v12 =	vld.idx.msk [tilespmem:v5+s18+$0x0], $0xffff;
	[tilespmem:s1+$0xF0] =	vst v6  }
0xae: {  	v2 =	vld.idx.msk [tilespmem:v9+s18+$0x0], $0xffff;
	[tilespmem:s1+$0x0] =	vst v7  }
0xaf: {  	v7 =	vld.idx.msk [tilespmem:v5+s19+$0x0], $0xffff;
	[tilespmem:s1+$0x80] =	vst v3  }
0xb0: {  	v6 =	vld.idx.msk [tilespmem:v8+s18+$0x0], $0xffff;
	[tilespmem:s1+$0x10] =	vst v10  }
0xb1: {  	v3 =	vld.idx.msk [tilespmem:v8+s19+$0x0], $0xffff;
	[tilespmem:s1+$0x90] =	vst v4  }
0xb2: {  	[tilespmem:s1+$0x20] =	vst v12;
	v4 =	vld.idx.msk [tilespmem:v9+s19+$0x0], $0xffff  }
0xb3: {  	s13 =	simm.s32 $0xD200;
	s12 =	simm.s32 $0x340;
	v5 =	vld.idx.msk [tilespmem:v1+s18+$0x0], $0xffff;
	[tilespmem:s1+$0x70] =	vst v11  }
.LBB2_6:
0xb4: {  	s14 =	sand.u32 $0x1F000, s13;
	s12 =	sadd.s32 $0x8, s12;
	[tilespmem:s1+$0xA0] =	vst v7;
	v1 =	vld.idx.msk [tilespmem:v1+s19+$0x0], $0xffff;
	s0 =	sadd.s32 $0x80, s0  }
0xb5: {  	s15 =	sand.u32 $0x380, s0;
	s14 =	sshrl.u32 s14, $0x2;
	p0 =	slt.u32 s12, $0x4B8;
	[tilespmem:s1+$0x30] =	vst v6;
	v6 =	vld.idx.msk [tilespmem:v0+s18+$0x0], $0xffff  }
0xb6: {  	s14 =	sor.u32 s15, s14;
	[tilespmem:s1+$0xB0] =	vst v3;
	v0 =	vld.idx.msk [tilespmem:v0+s19+$0x0], $0xffff  }
0xb7: {  	v3 =	vld [tilespmem:s14+$0x70];
	[tilespmem:s1+$0x40] =	vst v2  }
0xb8: {  	v2 =	vld [tilespmem:s14+$0x0];
	[tilespmem:s1+$0xC0] =	vst v4  }
0xb9: {  	v4 =	vld [tilespmem:s14+$0x10];
	[tilespmem:s1+$0x50] =	vst v5  }
0xba: {  	v5 =	vld [tilespmem:s14+$0x20];
	[tilespmem:s1+$0xD0] =	vst v1  }
0xbb: {  	v8 =	vld [tilespmem:s14+$0x30];
	[tilespmem:s1+$0x60] =	vst v6  }
0xbc: {  	v9 =	vld [tilespmem:s14+$0x40];
	[tilespmem:s1+$0xE0] =	vst v0  }
0xbd: {  	v1 =	vld [tilespmem:s14+$0x50]  }
0xbe: {  	v0 =	vld [tilespmem:s14+$0x60]  }
0xbf: {  	v6 =	vld.idx.msk [tilespmem:v3+s19+$0x0], $0xffff  }
0xc0: {  	v7 =	vld.idx.msk [tilespmem:v2+s18+$0x0], $0xffff  }
0xc1: {  	v2 =	vld.idx.msk [tilespmem:v2+s19+$0x0], $0xffff  }
0xc2: {  	v10 =	vld.idx.msk [tilespmem:v4+s18+$0x0], $0xffff  }
0xc3: {  	v4 =	vld.idx.msk [tilespmem:v4+s19+$0x0], $0xffff  }
0xc4: {  	s1 =	sadd.s32 $0x100, s1;
	v11 =	vld.idx.msk [tilespmem:v5+s18+$0x0], $0xffff  }
0xc5: {  	v12 =	vld.idx.msk [tilespmem:v3+s18+$0x0], $0xffff;
	[tilespmem:s1+$0xF0] =	vst v6  }
0xc6: {  	[tilespmem:s1+$0x0] =	vst v7;
	v7 =	vld.idx.msk [tilespmem:v5+s19+$0x0], $0xffff  }
.Ltmp2:
0xc7: {  	[tilespmem:s1+$0x80] =	vst v2;
	v6 =	vld.idx.msk [tilespmem:v8+s18+$0x0], $0xffff;
	(pc) =	sbr.rel @p0 .LBB2_6-.Ltmp2, $4  }
0xc8: {  	[tilespmem:s1+$0x10] =	vst v10;
	v3 =	vld.idx.msk [tilespmem:v8+s19+$0x0], $0xffff  }
0xc9: {  	[tilespmem:s1+$0x90] =	vst v4;
	v2 =	vld.idx.msk [tilespmem:v9+s18+$0x0], $0xffff  }
0xca: {  	[tilespmem:s1+$0x20] =	vst v11;
	v4 =	vld.idx.msk [tilespmem:v9+s19+$0x0], $0xffff  }
0xcb: {  	s13 =	sadd.s32 $0x200, s13;
	v5 =	vld.idx.msk [tilespmem:v1+s18+$0x0], $0xffff;
	[tilespmem:s1+$0x70] =	vst v12  }
0xcc: {  	_ =	sdelay $0x2  }
0xcd: {  	[tilespmem:s1+$0xA0] =	vst v7  }
0xce: {  	v1 =	vld.idx.msk [tilespmem:v1+s19+$0x0], $0xffff;
	[tilespmem:s1+$0x30] =	vst v6  }
0xcf: {  	v6 =	vld.idx.msk [tilespmem:v0+s18+$0x0], $0xffff;
	[tilespmem:s1+$0xB0] =	vst v3  }
0xd0: {  	v0 =	vld.idx.msk [tilespmem:v0+s19+$0x0], $0xffff;
	[tilespmem:s1+$0x40] =	vst v2  }
0xd1: {  	[tilespmem:s1+$0xC0] =	vst v4  }
0xd2: {  	[tilespmem:s1+$0x50] =	vst v5  }
0xd3: {  	[tilespmem:s1+$0xD0] =	vst v1  }
0xd4: {  	[tilespmem:s1+$0x60] =	vst v6  }
0xd5: {  	s0 =	sadd.s32 $0x1A000, s8;
	s15 =	simm.s32 $0x13000;
	[tilespmem:s1+$0xE0] =	vst v0  }
0xd6: {  	[hbm4b:s0+s20] =	stream.strided.scatter [tilespmem:s26], [sflag:$0x1], $0x3000, s21, s20, $0x38;
	[tilespmem:$0x12F00] =	vst v63  }
0xd7: {  	s1 =	sand.u32 $0x1F000, s15;
	s0 =	simm.s32 $0x4C00;
	_ =	swait.ge [sflag:s28], $0x1800  }
0xd8: {  	s1 =	sshrl.u32 s1, $0x2;
	s12 =	sand.u32 $0x380, s0;
	[sflag:s28] =	ssyncset.done $0x0  }
0xd9: {  	s1 =	sor.u32 s12, s1;
	[sflag:s28] =	ssyncadd.s32 $0xFFFFE800  }
0xda: {  	v2 =	vld [tilespmem:s1+$0x70]  }
0xdb: {  	v3 =	vld [tilespmem:s1+$0x0]  }
0xdc: {  	v4 =	vld [tilespmem:s1+$0x10]  }
0xdd: {  	v5 =	vld [tilespmem:s1+$0x20]  }
0xde: {  	v8 =	vld [tilespmem:s1+$0x30]  }
0xdf: {  	v9 =	vld [tilespmem:s1+$0x40]  }
0xe0: {  	v1 =	vld [tilespmem:s1+$0x50]  }
0xe1: {  	v0 =	vld [tilespmem:s1+$0x60]  }
0xe2: {  	v6 =	vld.idx.msk [tilespmem:v2+s19+$0x0], $0xffff  }
0xe3: {  	v7 =	vld.idx.msk [tilespmem:v3+s18+$0x0], $0xffff  }
0xe4: {  	v3 =	vld.idx.msk [tilespmem:v3+s19+$0x0], $0xffff  }
0xe5: {  	v10 =	vld.idx.msk [tilespmem:v4+s18+$0x0], $0xffff  }
0xe6: {  	v4 =	vld.idx.msk [tilespmem:v4+s19+$0x0], $0xffff  }
0xe7: {  	s1 =	simm.s32 $0xFC00;
	v11 =	vld.idx.msk [tilespmem:v2+s18+$0x0], $0xffff  }
0xe8: {  	v12 =	vld.idx.msk [tilespmem:v5+s18+$0x0], $0xffff;
	[tilespmem:s1+$0xF0] =	vst v6  }
0xe9: {  	v2 =	vld.idx.msk [tilespmem:v9+s18+$0x0], $0xffff;
	[tilespmem:s1+$0x0] =	vst v7  }
0xea: {  	v7 =	vld.idx.msk [tilespmem:v5+s19+$0x0], $0xffff;
	[tilespmem:s1+$0x80] =	vst v3  }
0xeb: {  	v6 =	vld.idx.msk [tilespmem:v8+s18+$0x0], $0xffff;
	[tilespmem:s1+$0x10] =	vst v10  }
0xec: {  	v3 =	vld.idx.msk [tilespmem:v8+s19+$0x0], $0xffff;
	[tilespmem:s1+$0x90] =	vst v4  }
0xed: {  	[tilespmem:s1+$0x20] =	vst v12;
	v4 =	vld.idx.msk [tilespmem:v9+s19+$0x0], $0xffff  }
0xee: {  	s13 =	simm.s32 $0x13200;
	s12 =	simm.s32 $0x4C0;
	v5 =	vld.idx.msk [tilespmem:v1+s18+$0x0], $0xffff;
	[tilespmem:s1+$0x70] =	vst v11  }
.LBB2_8:
0xef: {  	s14 =	sand.u32 $0x1F000, s13;
	s12 =	sadd.s32 $0x8, s12;
	[tilespmem:s1+$0xA0] =	vst v7;
	v1 =	vld.idx.msk [tilespmem:v1+s19+$0x0], $0xffff;
	s0 =	sadd.s32 $0x80, s0  }
0xf0: {  	s15 =	sand.u32 $0x380, s0;
	s14 =	sshrl.u32 s14, $0x2;
	p0 =	slt.u32 s12, $0x638;
	[tilespmem:s1+$0x30] =	vst v6;
	v6 =	vld.idx.msk [tilespmem:v0+s18+$0x0], $0xffff  }
0xf1: {  	s14 =	sor.u32 s15, s14;
	[tilespmem:s1+$0xB0] =	vst v3;
	v0 =	vld.idx.msk [tilespmem:v0+s19+$0x0], $0xffff  }
0xf2: {  	v3 =	vld [tilespmem:s14+$0x70];
	[tilespmem:s1+$0x40] =	vst v2  }
0xf3: {  	v2 =	vld [tilespmem:s14+$0x0];
	[tilespmem:s1+$0xC0] =	vst v4  }
0xf4: {  	v4 =	vld [tilespmem:s14+$0x10];
	[tilespmem:s1+$0x50] =	vst v5  }
0xf5: {  	v5 =	vld [tilespmem:s14+$0x20];
	[tilespmem:s1+$0xD0] =	vst v1  }
0xf6: {  	v8 =	vld [tilespmem:s14+$0x30];
	[tilespmem:s1+$0x60] =	vst v6  }
0xf7: {  	v9 =	vld [tilespmem:s14+$0x40];
	[tilespmem:s1+$0xE0] =	vst v0  }
0xf8: {  	v1 =	vld [tilespmem:s14+$0x50]  }
0xf9: {  	v0 =	vld [tilespmem:s14+$0x60]  }
0xfa: {  	v6 =	vld.idx.msk [tilespmem:v3+s19+$0x0], $0xffff  }
0xfb: {  	v7 =	vld.idx.msk [tilespmem:v2+s18+$0x0], $0xffff  }
0xfc: {  	v2 =	vld.idx.msk [tilespmem:v2+s19+$0x0], $0xffff  }
0xfd: {  	v10 =	vld.idx.msk [tilespmem:v4+s18+$0x0], $0xffff  }
0xfe: {  	v4 =	vld.idx.msk [tilespmem:v4+s19+$0x0], $0xffff  }
0xff: {  	s1 =	sadd.s32 $0x100, s1;
	v11 =	vld.idx.msk [tilespmem:v5+s18+$0x0], $0xffff  }
0x100: {  	v12 =	vld.idx.msk [tilespmem:v3+s18+$0x0], $0xffff;
	[tilespmem:s1+$0xF0] =	vst v6  }
0x101: {  	[tilespmem:s1+$0x0] =	vst v7;
	v7 =	vld.idx.msk [tilespmem:v5+s19+$0x0], $0xffff  }
.Ltmp3:
0x102: {  	[tilespmem:s1+$0x80] =	vst v2;
	v6 =	vld.idx.msk [tilespmem:v8+s18+$0x0], $0xffff;
	(pc) =	sbr.rel @p0 .LBB2_8-.Ltmp3, $4  }
0x103: {  	[tilespmem:s1+$0x10] =	vst v10;
	v3 =	vld.idx.msk [tilespmem:v8+s19+$0x0], $0xffff  }
0x104: {  	[tilespmem:s1+$0x90] =	vst v4;
	v2 =	vld.idx.msk [tilespmem:v9+s18+$0x0], $0xffff  }
0x105: {  	[tilespmem:s1+$0x20] =	vst v11;
	v4 =	vld.idx.msk [tilespmem:v9+s19+$0x0], $0xffff  }
0x106: {  	s13 =	sadd.s32 $0x200, s13;
	v5 =	vld.idx.msk [tilespmem:v1+s18+$0x0], $0xffff;
	[tilespmem:s1+$0x70] =	vst v12  }
0x107: {  	_ =	sdelay $0x2  }
0x108: {  	[tilespmem:s1+$0xA0] =	vst v7  }
0x109: {  	v1 =	vld.idx.msk [tilespmem:v1+s19+$0x0], $0xffff;
	[tilespmem:s1+$0x30] =	vst v6  }
0x10a: {  	v62 =	vld.idx.msk [tilespmem:v0+s18+$0x0], $0xffff;
	[tilespmem:s1+$0xB0] =	vst v3  }
0x10b: {  	v63 =	vld.idx.msk [tilespmem:v0+s19+$0x0], $0xffff;
	[tilespmem:s1+$0x40] =	vst v2  }
0x10c: {  	[tilespmem:s1+$0xC0] =	vst v4  }
0x10d: {  	[tilespmem:s1+$0x50] =	vst v5  }
0x10e: {  	[tilespmem:s1+$0xD0] =	vst v1  }
0x10f: {  	[tilespmem:s1+$0x60] =	vst v62  }
0x110: {  	s0 =	sadd.s32 $0x26000, s8;
	[tilespmem:s1+$0xE0] =	vst v63  }
0x111: {  	[hbm4b:s0+s20] =	stream.strided.scatter [tilespmem:s29], [sflag:$0x6], $0x3000, s21, s20, $0x38;
	[tilespmem:$0x12F00] =	vst v63  }
0x112: {  	_ =	swait.ge [sflag:s16], $0x3000  }
0x113: {  	[sflag:s16] =	ssyncset.done $0x0  }
0x114: {  	[sflag:s16] =	ssyncadd.s32 $0xFFFFD000  }
0x115: {  	_ =	swait.ge [sflag:s30], $0x3800  }
0x116: {  	[sflag:s30] =	ssyncset.done $0x0  }
0x117: {  	s31 =	sadd.s32 $0x1, s31;
	[sflag:s30] =	ssyncadd.s32 $0xFFFFC800  }
0x118: {  	p0 =	sne.s32 s31, s9;
	_ =	swait.ge [sflag:s30], $0x3000  }
.Ltmp4:
0x119: {  	[sflag:s30] =	ssyncset.done $0x0;
	(pc) =	sbr.rel @p0 .LBB2_1-.Ltmp4, $4  }
0x11a: {  	[sflag:s30] =	ssyncadd.s32 $0xFFFFD000  }
0x11b: {  	_ =	swait.ge [sflag:s30], $0x3000  }
0x11c: {  	[sflag:s30] =	ssyncset.done $0x0  }
0x11d: {  	[sflag:s30] =	ssyncadd.s32 $0xFFFFD000  }
0x11e: {  	_ =	sfence.sel $0x180000  }
0x11f: {  	[bflag:$0x0] =	sbarrier.arrive $0xFFFF  }
0x120: {  	_ =	strace $0x90000047  }
0x121: {  	s0 =	stileid.u32;
	[bflag:$0x2] =	sbarrier.arrive $0xFFFF  }
0x122: {  	p0 =	sne.s32 s0, $0x0;
	s0 =	rddreg [dreg:$0x3]  }
0x123: {  	s0 =	sadd.s32 @!p0 $0x100000, s0  }
0x124: {  	[sflag:s0] =	ssyncadd.tile.s32 @!p0 $0x1;
	_ =	shalt  }
.Lfunc_end2:
_tile_overlayer_lowered:
.L_overlay_start_2:
0x125: {  	(tag) =	ssettag $0x2  }
0x126: {  	s0 =	rddreg [dreg:$0x0];
	s2 =	stileid.u32  }
0x127: {  	s1 =	rddreg [dreg:$0x1];
	p0 =	sne.s32 s2, $0x0  }
0x128: {  	s3 =	rddreg [dreg:$0x2];
	[bflag:$0x3] =	sbarrier.arrive $0xFFFF;
	s2 =	simm.s32 @!p0 $0x1C06  }
0x129: {  	[timem:s3], [sflag:s2] =	dma.local @!p0 [hbm:s0], s1  }
0x12a: {  	s0 =	simm.s32 @!p0 $0x6  }
0x12b: {  	_ =	swait.ge @!p0 [sflag:s0], s1  }
0x12c: {  	s1 =	ssub.s32 @!p0 $0x0, s1;
	[sflag:s0] =	ssyncset.done @!p0 $0x0  }
0x12d: {  	[sflag:s0] =	ssyncadd.s32 @!p0 s1  }
0x12e: {  	[bflag:$0x3] =	sbarrier.arrive $0xFFFF  }
0x12f: {  	_ =	shalt  }

</sc_bundles>
